<compile_context>
chip_gen: v7x
topology: tpu7x:2x2x1
jax: 0.10.2.dev20260603
libtpu: 0.0.44.dev20260713+nightly
codegen_flags: <defaults>
</compile_context>

<pallas_src>
import functools

import jax
import jax.numpy as jnp
from jax import lax
from jax.experimental import pallas as pl
from jax.experimental.pallas import tpu as pltpu
from jax.experimental.pallas import tpu_sc as plsc

N = 10000
E = 320000
D = 128
G = 64

NC = 2
NS = 16
NW = NC * NS
CHUNK = 128
K = -(-E // (NW * CHUNK))
E_PAD = NW * K * CHUNK
N_PAD = 10112
ZR = N_PAD // NS
BLK = 2528
TC_GRID = N_PAD // BLK


def _segment_sum_sc(x_pad, src3, dst3, zrows):
    mesh = plsc.VectorSubcoreMesh(core_axis_name="c", subcore_axis_name="s")

    @functools.partial(
        pl.kernel,
        mesh=mesh,
        out_type=jax.ShapeDtypeStruct((NC, N_PAD, D), jnp.float32),
        scratch_types=[
            pltpu.VMEM((K, CHUNK), jnp.int32),
            pltpu.VMEM((K, CHUNK), jnp.int32),
            pltpu.VMEM((CHUNK, D), jnp.float32),
            pltpu.VMEM_SHARED((N_PAD, D), jnp.float32),
            pltpu.SemaphoreType.DMA,
        ],
    )
    def seg_sum(x_hbm, src_hbm, dst_hbm, z_hbm, out_hbm,
                src_v, dst_v, rows_v, agg_sh, sem):
        c = lax.axis_index("c")
        s = lax.axis_index("s")
        wid = c * NS + s
        pltpu.sync_copy(src_hbm.at[wid], src_v)
        pltpu.sync_copy(dst_hbm.at[wid], dst_v)
        pltpu.sync_copy(z_hbm, agg_sh.at[pl.ds(s * ZR, ZR)])
        plsc.subcore_barrier()

        def body(j, carry):
            pltpu.async_copy(x_hbm.at[src_v.at[j]], rows_v, sem).wait()
            pltpu.sync_copy(rows_v, agg_sh.at[dst_v.at[j]], add=True)
            return carry

        lax.fori_loop(0, K, body, 0)
        plsc.subcore_barrier()
        pltpu.sync_copy(agg_sh.at[pl.ds(s * ZR, ZR)],
                        out_hbm.at[c, pl.ds(s * ZR, ZR)])

    return seg_sum(x_pad, src3, dst3, zrows)


def _mlp_tc(x, a0, a1, W1, b1, W2, b2, eps, outer_relu):

    def body(eps_ref, x_ref, a0_ref, a1_ref, w1_ref, b1_ref, w2_ref, b2_ref,
             o_ref):
        h = (1.0 + eps_ref[0]) * x_ref[...] + a0_ref[...] + a1_ref[...]
        h = jnp.maximum(
            jnp.dot(h, w1_ref[...], preferred_element_type=jnp.float32)
            + b1_ref[...], 0.0)
        h = jnp.dot(h, w2_ref[...], preferred_element_type=jnp.float32) \
            + b2_ref[...]
        if outer_relu:
            h = jnp.maximum(h, 0.0)
        o_ref[...] = h

    row_spec = pl.BlockSpec((BLK, D), lambda i: (i, 0))
    full_spec = pl.BlockSpec((D, D), lambda i: (0, 0))
    bias_spec = pl.BlockSpec((1, D), lambda i: (0, 0))
    return pl.pallas_call(
        body,
        grid=(TC_GRID,),
        in_specs=[
            pl.BlockSpec(memory_space=pltpu.SMEM),
            row_spec, row_spec, row_spec,
            full_spec, bias_spec, full_spec, bias_spec,
        ],
        out_specs=row_spec,
        out_shape=jax.ShapeDtypeStruct((N_PAD, D), jnp.float32),
    )(eps.reshape(1), x, a0, a1, W1, b1.reshape(1, D), W2, b2.reshape(1, D))


def _mlp_pool_tc(x, a0, a1, W1, b1, W2, b2, eps, batch2d, fcW, fcb):

    def body(eps_ref, fcb_ref, x_ref, a0_ref, a1_ref, w1_ref, b1_ref, w2_ref,
             b2_ref, batch_ref, fcw_ref, o_ref, pooled_s, counts_s):
        i = pl.program_id(0)

        @pl.when(i == 0)
        def _():
            pooled_s[...] = jnp.zeros_like(pooled_s)
            counts_s[...] = jnp.zeros_like(counts_s)

        h = (1.0 + eps_ref[0]) * x_ref[...] + a0_ref[...] + a1_ref[...]
        h = jnp.maximum(
            jnp.dot(h, w1_ref[...], preferred_element_type=jnp.float32)
            + b1_ref[...], 0.0)
        h = jnp.dot(h, w2_ref[...], preferred_element_type=jnp.float32) \
            + b2_ref[...]

        b = batch_ref[...]
        gid = lax.broadcasted_iota(jnp.int32, (BLK, G), 1)
        maskT = (jnp.broadcast_to(b, (BLK, G)) == gid).astype(jnp.float32)
        pooled_s[...] += lax.dot_general(
            maskT, h, (((0,), (0,)), ((), ())),
            preferred_element_type=jnp.float32)
        counts_s[...] += lax.dot_general(
            maskT, jnp.ones((BLK, D), jnp.float32), (((0,), (0,)), ((), ())),
            preferred_element_type=jnp.float32)

        @pl.when(i == TC_GRID - 1)
        def _():
            pm = pooled_s[...] / jnp.maximum(counts_s[...], 1.0)
            res = jnp.dot(pm, fcw_ref[...],
                          preferred_element_type=jnp.float32)
            o_ref[...] = jnp.broadcast_to(res, (G, D)) + fcb_ref[0]

    row_spec = pl.BlockSpec((BLK, D), lambda i: (i, 0))
    full_spec = pl.BlockSpec((D, D), lambda i: (0, 0))
    bias_spec = pl.BlockSpec((1, D), lambda i: (0, 0))
    return pl.pallas_call(
        body,
        grid=(TC_GRID,),
        in_specs=[
            pl.BlockSpec(memory_space=pltpu.SMEM),
            pl.BlockSpec(memory_space=pltpu.SMEM),
            row_spec, row_spec, row_spec,
            full_spec, bias_spec, full_spec, bias_spec,
            pl.BlockSpec((BLK, 1), lambda i: (i, 0)),
            pl.BlockSpec((D, 1), lambda i: (0, 0)),
        ],
        out_specs=pl.BlockSpec((G, D), lambda i: (0, 0)),
        out_shape=jax.ShapeDtypeStruct((G, D), jnp.float32),
        scratch_shapes=[
            pltpu.VMEM((G, D), jnp.float32),
            pltpu.VMEM((G, D), jnp.float32),
        ],
    )(eps.reshape(1), fcb, x, a0, a1, W1, b1.reshape(1, D), W2,
      b2.reshape(1, D), batch2d, fcW)


def kernel(x, edge_index, batch, W1_0, b1_0, W2_0, b2_0, eps_0, W1_1, b1_1,
           W2_1, b2_1, eps_1, W1_2, b1_2, W2_2, b2_2, eps_2, fcW, fcb):
    src = edge_index[0]
    dst = edge_index[1]
    pad = E_PAD - E
    src3 = jnp.concatenate([src, jnp.zeros((pad,), jnp.int32)]) \
        .reshape(NW, K, CHUNK)
    dst3 = jnp.concatenate([dst, jnp.full((pad,), N, jnp.int32)]) \
        .reshape(NW, K, CHUNK)
    x_pad = jnp.concatenate([x, jnp.zeros((N_PAD - N, D), jnp.float32)])
    batch2d = jnp.concatenate([batch, jnp.full((N_PAD - N,), G, jnp.int32)]) \
        .reshape(N_PAD, 1)
    zrows = jnp.zeros((ZR, D), jnp.float32)

    params = [(W1_0, b1_0, W2_0, b2_0, eps_0),
              (W1_1, b1_1, W2_1, b2_1, eps_1),
              (W1_2, b1_2, W2_2, b2_2, eps_2)]

    h = x_pad
    for i, (W1, b1, W2, b2, eps) in enumerate(params):
        agg = _segment_sum_sc(h, src3, dst3, zrows)
        if i < 2:
            h = _mlp_tc(h, agg[0], agg[1], W1, b1, W2, b2, eps,
                        outer_relu=True)
        else:
            out2d = _mlp_pool_tc(h, agg[0], agg[1], W1, b1, W2, b2, eps,
                                 batch2d, fcW, fcb)
    return out2d[:, 0]

# --- scband reference (transcript-rebuilt; emitter-appended) ---
"""Pipeline reference for scband-ginregressor-2327872274535 (READ-ONLY COPY).

The authoritative reference and input builder live on the scoring server;
editing this copy changes nothing except your own understanding.
"""

import jax, jax.numpy as jnp
import numpy as np

N = 10000
E = 320000
D = 128
H = 128
G = 64

def setup_inputs(seed: int = 0):
    key = jax.random.key(seed)
    ks = jax.random.split(key, 20)
    inp = {}
    inp['x'] = jax.random.normal(ks[0], (N, D), dtype=jnp.float32)
    inp['edge_index'] = jax.random.randint(ks[1], (2, E), 0, N, dtype=jnp.int32)
    inp['batch'] = jnp.sort(jax.random.randint(ks[2], (N,), 0, G, dtype=jnp.int32))
    dims = [(D, H), (H, H), (H, H)]
    for i, (din, dout) in enumerate(dims):
        inp['W1_%d' % i] = jax.random.normal(ks[3 + 4 * i], (din, H), dtype=jnp.float32) * 0.05
        inp['b1_%d' % i] = jnp.zeros((H,), dtype=jnp.float32)
        inp['W2_%d' % i] = jax.random.normal(ks[4 + 4 * i], (H, H), dtype=jnp.float32) * 0.05
        inp['b2_%d' % i] = jnp.zeros((H,), dtype=jnp.float32)
        inp['eps_%d' % i] = jnp.zeros((), dtype=jnp.float32)
    inp['fcW'] = jax.random.normal(ks[16], (H, 1), dtype=jnp.float32) * 0.05
    inp['fcb'] = jnp.zeros((1,), dtype=jnp.float32)
    return inp

def _gin_layer(x, src, dst, W1, b1, W2, b2, eps):
    # GINConv (train_eps=True): out = mlp((1 + eps) * x + sum_{j->i} x_j)
    agg = jax.ops.segment_sum(x[src], dst, num_segments=N)
    h = (1.0 + eps) * x + agg
    h = jnp.maximum(h @ W1 + b1, 0.0)
    h = h @ W2 + b2
    return h

def reference(x, edge_index, batch, W1_0, b1_0, W2_0, b2_0, eps_0, W1_1, b1_1, W2_1, b2_1, eps_1, W1_2, b1_2, W2_2, b2_2, eps_2, fcW, fcb):
    src = edge_index[0]
    dst = edge_index[1]
    params = [(W1_0, b1_0, W2_0, b2_0, eps_0),
              (W1_1, b1_1, W2_1, b2_1, eps_1),
              (W1_2, b1_2, W2_2, b2_2, eps_2)]
    h = x
    for i, (W1, b1, W2, b2, eps) in enumerate(params):
        h = _gin_layer(h, src, dst, W1, b1, W2, b2, eps)
        if i < len(params) - 1:
            h = jnp.maximum(h, 0.0)  # ReLU; dropout is identity in eval mode
    # global_mean_pool over graph batch ids
    sums = jax.ops.segment_sum(h, batch, num_segments=G)
    counts = jax.ops.segment_sum(jnp.ones((N,), dtype=jnp.float32), batch, num_segments=G)
    pooled = sums / jnp.maximum(counts, 1.0)[:, None]
    out = pooled @ fcW + fcb
    return jnp.squeeze(out, axis=-1)

if __name__ == "__main__":
    import jax
    _d = setup_inputs()
    print(jax.jit(kernel)(*tuple(_d.values())))

</pallas_src>

<mosaic_0001>
#map = affine_map<(d0, d1) -> (0, 0)>
#map1 = affine_map<(d0, d1) -> (0, 0, 0)>
module attributes {stable_mosaic.version = 14 : i64} {
  func.func @seg_sum(%arg0: i32, %arg1: i32, %arg2: memref<10112x128xf32, #tpu.memory_space<hbm>>, %arg3: memref<32x79x128xi32, #tpu.memory_space<hbm>>, %arg4: memref<32x79x128xi32, #tpu.memory_space<hbm>>, %arg5: memref<632x128xf32, #tpu.memory_space<hbm>>, %arg6: memref<2x10112x128xf32, #tpu.memory_space<hbm>>, %arg7: memref<79x128xi32, #tpu.memory_space<vmem>>, %arg8: memref<79x128xi32, #tpu.memory_space<vmem>>, %arg9: memref<128x128xf32, #tpu.memory_space<vmem>>, %arg10: memref<10112x128xf32, #tpu.memory_space<vmem_shared>>, %arg11: memref<!tpu.dma_semaphore, #tpu.memory_space<semaphore_mem>>) attributes {dimension_semantics = [#tpu.dimension_semantics<core_parallel>, #tpu.dimension_semantics<subcore_parallel>], iteration_bounds = array<i64: 2, 16>, scalar_prefetch = 0 : i64, scratch_operands = 5 : i64, tpu.core_type = #tpu.core_type<sc_vector_subcore>, window_params = [{transform_indices = #map}, {transform_indices = #map1}, {transform_indices = #map1}, {transform_indices = #map}, {transform_indices = #map1}]} {
    %mul3A = arith.constant 16 : i32
    %mul3A_0 = arith.muli %arg0, %mul3A : i32
    %add3A = arith.addi %mul3A_0, %arg1 : i32
    "tpu.region"() ({
      %run_scoped3A = tpu.sem_alloc : memref<!tpu.dma_semaphore, #tpu.memory_space<semaphore_mem>>
      %dma_start3A = arith.constant 0 : i32
      %dma_start3A_13 = arith.constant 0 : i32
      %dma_start3A_14 = tpu.memref_slice %arg3[%add3A, %dma_start3A, %dma_start3A_13] : memref<32x79x128xi32, #tpu.memory_space<hbm>> -> memref<1x79x128xi32, #tpu.memory_space<hbm>>
      %dma_start3A_15 = tpu.memref_squeeze %dma_start3A_14 : memref<1x79x128xi32, #tpu.memory_space<hbm>> -> memref<79x128xi32, #tpu.memory_space<hbm>>
      %dma_start3A_16 = arith.constant 0 : i32
      %dma_start3A_17 = arith.constant 0 : i32
      %dma_start3A_18 = tpu.memref_slice %arg3[%add3A, %dma_start3A_16, %dma_start3A_17] : memref<32x79x128xi32, #tpu.memory_space<hbm>> -> memref<1x79x128xi32, #tpu.memory_space<hbm>>
      %dma_start3A_19 = tpu.memref_squeeze %dma_start3A_18 : memref<1x79x128xi32, #tpu.memory_space<hbm>> -> memref<79x128xi32, #tpu.memory_space<hbm>>
      tpu.enqueue_dma source(%dma_start3A_19 : memref<79x128xi32, #tpu.memory_space<hbm>>) target(%arg7 : memref<79x128xi32, #tpu.memory_space<vmem>>) target_semaphore(%run_scoped3A : memref<!tpu.dma_semaphore, #tpu.memory_space<semaphore_mem>>)
      %dma_wait3A = arith.constant 0 : i32
      %dma_wait3A_20 = arith.constant 0 : i32
      %dma_wait3A_21 = tpu.memref_slice %arg3[%add3A, %dma_wait3A, %dma_wait3A_20] : memref<32x79x128xi32, #tpu.memory_space<hbm>> -> memref<1x79x128xi32, #tpu.memory_space<hbm>>
      %dma_wait3A_22 = tpu.memref_squeeze %dma_wait3A_21 : memref<1x79x128xi32, #tpu.memory_space<hbm>> -> memref<79x128xi32, #tpu.memory_space<hbm>>
      %dma_wait3A_23 = arith.constant 0 : i32
      %dma_wait3A_24 = arith.constant 0 : i32
      %dma_wait3A_25 = tpu.memref_slice %arg3[%add3A, %dma_wait3A_23, %dma_wait3A_24] : memref<32x79x128xi32, #tpu.memory_space<hbm>> -> memref<1x79x128xi32, #tpu.memory_space<hbm>>
      %dma_wait3A_26 = tpu.memref_squeeze %dma_wait3A_25 : memref<1x79x128xi32, #tpu.memory_space<hbm>> -> memref<79x128xi32, #tpu.memory_space<hbm>>
      tpu.wait_dma2 semaphore(%run_scoped3A : memref<!tpu.dma_semaphore, #tpu.memory_space<semaphore_mem>>) src(%dma_wait3A_26 : memref<79x128xi32, #tpu.memory_space<hbm>>) dst(%arg7 : memref<79x128xi32, #tpu.memory_space<vmem>>)
      tpu.yield
    }) : () -> ()
    "tpu.region"() ({
      %run_scoped3A = tpu.sem_alloc : memref<!tpu.dma_semaphore, #tpu.memory_space<semaphore_mem>>
      %dma_start3A = arith.constant 0 : i32
      %dma_start3A_13 = arith.constant 0 : i32
      %dma_start3A_14 = tpu.memref_slice %arg4[%add3A, %dma_start3A, %dma_start3A_13] : memref<32x79x128xi32, #tpu.memory_space<hbm>> -> memref<1x79x128xi32, #tpu.memory_space<hbm>>
      %dma_start3A_15 = tpu.memref_squeeze %dma_start3A_14 : memref<1x79x128xi32, #tpu.memory_space<hbm>> -> memref<79x128xi32, #tpu.memory_space<hbm>>
      %dma_start3A_16 = arith.constant 0 : i32
      %dma_start3A_17 = arith.constant 0 : i32
      %dma_start3A_18 = tpu.memref_slice %arg4[%add3A, %dma_start3A_16, %dma_start3A_17] : memref<32x79x128xi32, #tpu.memory_space<hbm>> -> memref<1x79x128xi32, #tpu.memory_space<hbm>>
      %dma_start3A_19 = tpu.memref_squeeze %dma_start3A_18 : memref<1x79x128xi32, #tpu.memory_space<hbm>> -> memref<79x128xi32, #tpu.memory_space<hbm>>
      tpu.enqueue_dma source(%dma_start3A_19 : memref<79x128xi32, #tpu.memory_space<hbm>>) target(%arg8 : memref<79x128xi32, #tpu.memory_space<vmem>>) target_semaphore(%run_scoped3A : memref<!tpu.dma_semaphore, #tpu.memory_space<semaphore_mem>>)
      %dma_wait3A = arith.constant 0 : i32
      %dma_wait3A_20 = arith.constant 0 : i32
      %dma_wait3A_21 = tpu.memref_slice %arg4[%add3A, %dma_wait3A, %dma_wait3A_20] : memref<32x79x128xi32, #tpu.memory_space<hbm>> -> memref<1x79x128xi32, #tpu.memory_space<hbm>>
      %dma_wait3A_22 = tpu.memref_squeeze %dma_wait3A_21 : memref<1x79x128xi32, #tpu.memory_space<hbm>> -> memref<79x128xi32, #tpu.memory_space<hbm>>
      %dma_wait3A_23 = arith.constant 0 : i32
      %dma_wait3A_24 = arith.constant 0 : i32
      %dma_wait3A_25 = tpu.memref_slice %arg4[%add3A, %dma_wait3A_23, %dma_wait3A_24] : memref<32x79x128xi32, #tpu.memory_space<hbm>> -> memref<1x79x128xi32, #tpu.memory_space<hbm>>
      %dma_wait3A_26 = tpu.memref_squeeze %dma_wait3A_25 : memref<1x79x128xi32, #tpu.memory_space<hbm>> -> memref<79x128xi32, #tpu.memory_space<hbm>>
      tpu.wait_dma2 semaphore(%run_scoped3A : memref<!tpu.dma_semaphore, #tpu.memory_space<semaphore_mem>>) src(%dma_wait3A_26 : memref<79x128xi32, #tpu.memory_space<hbm>>) dst(%arg8 : memref<79x128xi32, #tpu.memory_space<vmem>>)
      tpu.yield
    }) : () -> ()
    %mul3A_1 = arith.constant 632 : i32
    %mul3A_2 = arith.muli %arg1, %mul3A_1 : i32
    "tpu.region"() ({
      %run_scoped3A = tpu.sem_alloc : memref<!tpu.dma_semaphore, #tpu.memory_space<semaphore_mem>>
      %dma_start3A = arith.constant 0 : i32
      %dma_start3A_13 = tpu.memref_slice %arg10[%mul3A_2, %dma_start3A] : memref<10112x128xf32, #tpu.memory_space<vmem_shared>> -> memref<632x128xf32, #tpu.memory_space<vmem_shared>>
      tpu.enqueue_dma source(%arg5 : memref<632x128xf32, #tpu.memory_space<hbm>>) target(%dma_start3A_13 : memref<632x128xf32, #tpu.memory_space<vmem_shared>>) target_semaphore(%run_scoped3A : memref<!tpu.dma_semaphore, #tpu.memory_space<semaphore_mem>>)
      %dma_wait3A = arith.constant 0 : i32
      %dma_wait3A_14 = tpu.memref_slice %arg10[%mul3A_2, %dma_wait3A] : memref<10112x128xf32, #tpu.memory_space<vmem_shared>> -> memref<632x128xf32, #tpu.memory_space<vmem_shared>>
      tpu.wait_dma2 semaphore(%run_scoped3A : memref<!tpu.dma_semaphore, #tpu.memory_space<semaphore_mem>>) src(%arg5 : memref<632x128xf32, #tpu.memory_space<hbm>>) dst(%dma_wait3A_14 : memref<632x128xf32, #tpu.memory_space<vmem_shared>>)
      tpu.yield
    }) : () -> ()
    %barrier3A = arith.constant 0 : index
    tpu.barrier barrier_id(%barrier3A)
    %scan3A = arith.constant 0 : i32
    %scan3A_3 = arith.constant 0 : i32
    %scan3A_4 = arith.constant 79 : i32
    %scan3A_5 = arith.addi %scan3A_3, %scan3A_4 : i32
    %scan3A_6 = arith.constant 1 : i32
    scf.for %scan3A_13 = %scan3A_3 to %scan3A_5 step %scan3A_6  : i32 {
      %dma_start3A = arith.constant 0 : i32
      %dma_start3A_14 = tpu.memref_slice %arg7[%scan3A_13, %dma_start3A] : memref<79x128xi32, #tpu.memory_space<vmem>> -> memref<1x128xi32, #tpu.memory_space<vmem>>
      %dma_start3A_15 = tpu.memref_squeeze %dma_start3A_14 : memref<1x128xi32, #tpu.memory_space<vmem>> -> memref<128xi32, #tpu.memory_space<vmem>>
      %dma_start3A_16 = arith.constant 0 : i32
      %dma_start3A_17 = arith.constant 0 : i32
      %dma_start3A_18 = tpu.memref_slice %arg2[%dma_start3A_16, %dma_start3A_17] : memref<10112x128xf32, #tpu.memory_space<hbm>> -> memref<10112x128xf32, #tpu.memory_space<hbm>>
      tpu.enqueue_indirect_dma source(%dma_start3A_18 : memref<10112x128xf32, #tpu.memory_space<hbm>>) target(%arg9 : memref<128x128xf32, #tpu.memory_space<vmem>>) offsets(%dma_start3A_15 : memref<128xi32, #tpu.memory_space<vmem>>) semaphore(%arg11 : memref<!tpu.dma_semaphore, #tpu.memory_space<semaphore_mem>>)
      %dma_wait3A = arith.constant 0 : i32
      %dma_wait3A_19 = tpu.memref_slice %arg7[%scan3A_13, %dma_wait3A] : memref<79x128xi32, #tpu.memory_space<vmem>> -> memref<1x128xi32, #tpu.memory_space<vmem>>
      %dma_wait3A_20 = tpu.memref_squeeze %dma_wait3A_19 : memref<1x128xi32, #tpu.memory_space<vmem>> -> memref<128xi32, #tpu.memory_space<vmem>>
      %dma_wait3A_21 = arith.constant 0 : i32
      %dma_wait3A_22 = arith.constant 0 : i32
      %dma_wait3A_23 = tpu.memref_slice %arg2[%dma_wait3A_21, %dma_wait3A_22] : memref<10112x128xf32, #tpu.memory_space<hbm>> -> memref<10112x128xf32, #tpu.memory_space<hbm>>
      tpu.wait_indirect_dma semaphore(%arg11 : memref<!tpu.dma_semaphore, #tpu.memory_space<semaphore_mem>>) src(%dma_wait3A_23 : memref<10112x128xf32, #tpu.memory_space<hbm>>) dst(%arg9 : memref<128x128xf32, #tpu.memory_space<vmem>>)
      "tpu.region"() ({
        %run_scoped3A = tpu.sem_alloc : memref<!tpu.dma_semaphore, #tpu.memory_space<semaphore_mem>>
        %dma_start3A_24 = arith.constant 0 : i32
        %dma_start3A_25 = tpu.memref_slice %arg8[%scan3A_13, %dma_start3A_24] : memref<79x128xi32, #tpu.memory_space<vmem>> -> memref<1x128xi32, #tpu.memory_space<vmem>>
        %dma_start3A_26 = tpu.memref_squeeze %dma_start3A_25 : memref<1x128xi32, #tpu.memory_space<vmem>> -> memref<128xi32, #tpu.memory_space<vmem>>
        %dma_start3A_27 = arith.constant 0 : i32
        %dma_start3A_28 = arith.constant 0 : i32
        %dma_start3A_29 = tpu.memref_slice %arg10[%dma_start3A_27, %dma_start3A_28] : memref<10112x128xf32, #tpu.memory_space<vmem_shared>> -> memref<10112x128xf32, #tpu.memory_space<vmem_shared>>
        tpu.enqueue_indirect_dma source(%arg9 : memref<128x128xf32, #tpu.memory_space<vmem>>) target(%dma_start3A_29 : memref<10112x128xf32, #tpu.memory_space<vmem_shared>>) offsets(%dma_start3A_26 : memref<128xi32, #tpu.memory_space<vmem>>) semaphore(%run_scoped3A : memref<!tpu.dma_semaphore, #tpu.memory_space<semaphore_mem>>) {add = true}
        %dma_wait3A_30 = arith.constant 0 : i32
        %dma_wait3A_31 = tpu.memref_slice %arg8[%scan3A_13, %dma_wait3A_30] : memref<79x128xi32, #tpu.memory_space<vmem>> -> memref<1x128xi32, #tpu.memory_space<vmem>>
        %dma_wait3A_32 = tpu.memref_squeeze %dma_wait3A_31 : memref<1x128xi32, #tpu.memory_space<vmem>> -> memref<128xi32, #tpu.memory_space<vmem>>
        %dma_wait3A_33 = arith.constant 0 : i32
        %dma_wait3A_34 = arith.constant 0 : i32
        %dma_wait3A_35 = tpu.memref_slice %arg10[%dma_wait3A_33, %dma_wait3A_34] : memref<10112x128xf32, #tpu.memory_space<vmem_shared>> -> memref<10112x128xf32, #tpu.memory_space<vmem_shared>>
        tpu.wait_indirect_dma semaphore(%run_scoped3A : memref<!tpu.dma_semaphore, #tpu.memory_space<semaphore_mem>>) src(%arg9 : memref<128x128xf32, #tpu.memory_space<vmem>>) dst(%dma_wait3A_35 : memref<10112x128xf32, #tpu.memory_space<vmem_shared>>)
        tpu.yield
      }) : () -> ()
    }
    %scan3A_7 = arith.constant 79 : i32
    %barrier3A_8 = arith.constant 0 : index
    tpu.barrier barrier_id(%barrier3A_8)
    %mul3A_9 = arith.constant 632 : i32
    %mul3A_10 = arith.muli %arg1, %mul3A_9 : i32
    %mul3A_11 = arith.constant 632 : i32
    %mul3A_12 = arith.muli %arg1, %mul3A_11 : i32
    "tpu.region"() ({
      %run_scoped3A = tpu.sem_alloc : memref<!tpu.dma_semaphore, #tpu.memory_space<semaphore_mem>>
      %dma_start3A = arith.constant 0 : i32
      %dma_start3A_13 = tpu.memref_slice %arg6[%arg0, %mul3A_12, %dma_start3A] : memref<2x10112x128xf32, #tpu.memory_space<hbm>> -> memref<1x632x128xf32, #tpu.memory_space<hbm>>
      %dma_start3A_14 = tpu.memref_squeeze %dma_start3A_13 : memref<1x632x128xf32, #tpu.memory_space<hbm>> -> memref<632x128xf32, #tpu.memory_space<hbm>>
      %dma_start3A_15 = arith.constant 0 : i32
      %dma_start3A_16 = tpu.memref_slice %arg10[%mul3A_10, %dma_start3A_15] : memref<10112x128xf32, #tpu.memory_space<vmem_shared>> -> memref<632x128xf32, #tpu.memory_space<vmem_shared>>
      tpu.enqueue_dma source(%dma_start3A_16 : memref<632x128xf32, #tpu.memory_space<vmem_shared>>) target(%dma_start3A_14 : memref<632x128xf32, #tpu.memory_space<hbm>>) target_semaphore(%run_scoped3A : memref<!tpu.dma_semaphore, #tpu.memory_space<semaphore_mem>>)
      %dma_wait3A = arith.constant 0 : i32
      %dma_wait3A_17 = tpu.memref_slice %arg6[%arg0, %mul3A_12, %dma_wait3A] : memref<2x10112x128xf32, #tpu.memory_space<hbm>> -> memref<1x632x128xf32, #tpu.memory_space<hbm>>
      %dma_wait3A_18 = tpu.memref_squeeze %dma_wait3A_17 : memref<1x632x128xf32, #tpu.memory_space<hbm>> -> memref<632x128xf32, #tpu.memory_space<hbm>>
      %dma_wait3A_19 = arith.constant 0 : i32
      %dma_wait3A_20 = tpu.memref_slice %arg10[%mul3A_10, %dma_wait3A_19] : memref<10112x128xf32, #tpu.memory_space<vmem_shared>> -> memref<632x128xf32, #tpu.memory_space<vmem_shared>>
      tpu.wait_dma2 semaphore(%run_scoped3A : memref<!tpu.dma_semaphore, #tpu.memory_space<semaphore_mem>>) src(%dma_wait3A_20 : memref<632x128xf32, #tpu.memory_space<vmem_shared>>) dst(%dma_wait3A_18 : memref<632x128xf32, #tpu.memory_space<hbm>>)
      tpu.yield
    }) : () -> ()
    return
  }
}

#map = affine_map<(d0, d1) -> (0, 0)>
#map1 = affine_map<(d0, d1) -> (0, 0, 0)>
module attributes {stable_mosaic.version = 14 : i64} {
  func.func @seg_sum(%arg0: i32, %arg1: i32, %arg2: memref<10112x128xf32, #tpu.memory_space<hbm>>, %arg3: memref<32x79x128xi32, #tpu.memory_space<hbm>>, %arg4: memref<32x79x128xi32, #tpu.memory_space<hbm>>, %arg5: memref<632x128xf32, #tpu.memory_space<hbm>>, %arg6: memref<2x10112x128xf32, #tpu.memory_space<hbm>>, %arg7: memref<79x128xi32, #tpu.memory_space<vmem>>, %arg8: memref<79x128xi32, #tpu.memory_space<vmem>>, %arg9: memref<128x128xf32, #tpu.memory_space<vmem>>, %arg10: memref<10112x128xf32, #tpu.memory_space<vmem_shared>>, %arg11: memref<!tpu.dma_semaphore, #tpu.memory_space<semaphore_mem>>) attributes {dimension_semantics = [#tpu.dimension_semantics<core_parallel>, #tpu.dimension_semantics<subcore_parallel>], iteration_bounds = array<i64: 2, 16>, scalar_prefetch = 0 : i64, scratch_operands = 5 : i64, tpu.core_type = #tpu.core_type<sc_vector_subcore>, window_params = [{transform_indices = #map}, {transform_indices = #map1}, {transform_indices = #map1}, {transform_indices = #map}, {transform_indices = #map1}]} {
    %mul3A = arith.constant 16 : i32
    %mul3A_0 = arith.muli %arg0, %mul3A : i32
    %add3A = arith.addi %mul3A_0, %arg1 : i32
    "tpu.region"() ({
      %run_scoped3A = tpu.sem_alloc : memref<!tpu.dma_semaphore, #tpu.memory_space<semaphore_mem>>
      %dma_start3A = arith.constant 0 : i32
      %dma_start3A_13 = arith.constant 0 : i32
      %dma_start3A_14 = tpu.memref_slice %arg3[%add3A, %dma_start3A, %dma_start3A_13] : memref<32x79x128xi32, #tpu.memory_space<hbm>> -> memref<1x79x128xi32, #tpu.memory_space<hbm>>
      %dma_start3A_15 = tpu.memref_squeeze %dma_start3A_14 : memref<1x79x128xi32, #tpu.memory_space<hbm>> -> memref<79x128xi32, #tpu.memory_space<hbm>>
      %dma_start3A_16 = arith.constant 0 : i32
      %dma_start3A_17 = arith.constant 0 : i32
      %dma_start3A_18 = tpu.memref_slice %arg3[%add3A, %dma_start3A_16, %dma_start3A_17] : memref<32x79x128xi32, #tpu.memory_space<hbm>> -> memref<1x79x128xi32, #tpu.memory_space<hbm>>
      %dma_start3A_19 = tpu.memref_squeeze %dma_start3A_18 : memref<1x79x128xi32, #tpu.memory_space<hbm>> -> memref<79x128xi32, #tpu.memory_space<hbm>>
      tpu.enqueue_dma source(%dma_start3A_19 : memref<79x128xi32, #tpu.memory_space<hbm>>) target(%arg7 : memref<79x128xi32, #tpu.memory_space<vmem>>) target_semaphore(%run_scoped3A : memref<!tpu.dma_semaphore, #tpu.memory_space<semaphore_mem>>)
      %dma_wait3A = arith.constant 0 : i32
      %dma_wait3A_20 = arith.constant 0 : i32
      %dma_wait3A_21 = tpu.memref_slice %arg3[%add3A, %dma_wait3A, %dma_wait3A_20] : memref<32x79x128xi32, #tpu.memory_space<hbm>> -> memref<1x79x128xi32, #tpu.memory_space<hbm>>
      %dma_wait3A_22 = tpu.memref_squeeze %dma_wait3A_21 : memref<1x79x128xi32, #tpu.memory_space<hbm>> -> memref<79x128xi32, #tpu.memory_space<hbm>>
      %dma_wait3A_23 = arith.constant 0 : i32
      %dma_wait3A_24 = arith.constant 0 : i32
      %dma_wait3A_25 = tpu.memref_slice %arg3[%add3A, %dma_wait3A_23, %dma_wait3A_24] : memref<32x79x128xi32, #tpu.memory_space<hbm>> -> memref<1x79x128xi32, #tpu.memory_space<hbm>>
      %dma_wait3A_26 = tpu.memref_squeeze %dma_wait3A_25 : memref<1x79x128xi32, #tpu.memory_space<hbm>> -> memref<79x128xi32, #tpu.memory_space<hbm>>
      tpu.wait_dma2 semaphore(%run_scoped3A : memref<!tpu.dma_semaphore, #tpu.memory_space<semaphore_mem>>) src(%dma_wait3A_26 : memref<79x128xi32, #tpu.memory_space<hbm>>) dst(%arg7 : memref<79x128xi32, #tpu.memory_space<vmem>>)
      tpu.yield
    }) : () -> ()
    "tpu.region"() ({
      %run_scoped3A = tpu.sem_alloc : memref<!tpu.dma_semaphore, #tpu.memory_space<semaphore_mem>>
      %dma_start3A = arith.constant 0 : i32
      %dma_start3A_13 = arith.constant 0 : i32
      %dma_start3A_14 = tpu.memref_slice %arg4[%add3A, %dma_start3A, %dma_start3A_13] : memref<32x79x128xi32, #tpu.memory_space<hbm>> -> memref<1x79x128xi32, #tpu.memory_space<hbm>>
      %dma_start3A_15 = tpu.memref_squeeze %dma_start3A_14 : memref<1x79x128xi32, #tpu.memory_space<hbm>> -> memref<79x128xi32, #tpu.memory_space<hbm>>
      %dma_start3A_16 = arith.constant 0 : i32
      %dma_start3A_17 = arith.constant 0 : i32
      %dma_start3A_18 = tpu.memref_slice %arg4[%add3A, %dma_start3A_16, %dma_start3A_17] : memref<32x79x128xi32, #tpu.memory_space<hbm>> -> memref<1x79x128xi32, #tpu.memory_space<hbm>>
      %dma_start3A_19 = tpu.memref_squeeze %dma_start3A_18 : memref<1x79x128xi32, #tpu.memory_space<hbm>> -> memref<79x128xi32, #tpu.memory_space<hbm>>
      tpu.enqueue_dma source(%dma_start3A_19 : memref<79x128xi32, #tpu.memory_space<hbm>>) target(%arg8 : memref<79x128xi32, #tpu.memory_space<vmem>>) target_semaphore(%run_scoped3A : memref<!tpu.dma_semaphore, #tpu.memory_space<semaphore_mem>>)
      %dma_wait3A = arith.constant 0 : i32
      %dma_wait3A_20 = arith.constant 0 : i32
      %dma_wait3A_21 = tpu.memref_slice %arg4[%add3A, %dma_wait3A, %dma_wait3A_20] : memref<32x79x128xi32, #tpu.memory_space<hbm>> -> memref<1x79x128xi32, #tpu.memory_space<hbm>>
      %dma_wait3A_22 = tpu.memref_squeeze %dma_wait3A_21 : memref<1x79x128xi32, #tpu.memory_space<hbm>> -> memref<79x128xi32, #tpu.memory_space<hbm>>
      %dma_wait3A_23 = arith.constant 0 : i32
      %dma_wait3A_24 = arith.constant 0 : i32
      %dma_wait3A_25 = tpu.memref_slice %arg4[%add3A, %dma_wait3A_23, %dma_wait3A_24] : memref<32x79x128xi32, #tpu.memory_space<hbm>> -> memref<1x79x128xi32, #tpu.memory_space<hbm>>
      %dma_wait3A_26 = tpu.memref_squeeze %dma_wait3A_25 : memref<1x79x128xi32, #tpu.memory_space<hbm>> -> memref<79x128xi32, #tpu.memory_space<hbm>>
      tpu.wait_dma2 semaphore(%run_scoped3A : memref<!tpu.dma_semaphore, #tpu.memory_space<semaphore_mem>>) src(%dma_wait3A_26 : memref<79x128xi32, #tpu.memory_space<hbm>>) dst(%arg8 : memref<79x128xi32, #tpu.memory_space<vmem>>)
      tpu.yield
    }) : () -> ()
    %mul3A_1 = arith.constant 632 : i32
    %mul3A_2 = arith.muli %arg1, %mul3A_1 : i32
    "tpu.region"() ({
      %run_scoped3A = tpu.sem_alloc : memref<!tpu.dma_semaphore, #tpu.memory_space<semaphore_mem>>
      %dma_start3A = arith.constant 0 : i32
      %dma_start3A_13 = tpu.memref_slice %arg10[%mul3A_2, %dma_start3A] : memref<10112x128xf32, #tpu.memory_space<vmem_shared>> -> memref<632x128xf32, #tpu.memory_space<vmem_shared>>
      tpu.enqueue_dma source(%arg5 : memref<632x128xf32, #tpu.memory_space<hbm>>) target(%dma_start3A_13 : memref<632x128xf32, #tpu.memory_space<vmem_shared>>) target_semaphore(%run_scoped3A : memref<!tpu.dma_semaphore, #tpu.memory_space<semaphore_mem>>)
      %dma_wait3A = arith.constant 0 : i32
      %dma_wait3A_14 = tpu.memref_slice %arg10[%mul3A_2, %dma_wait3A] : memref<10112x128xf32, #tpu.memory_space<vmem_shared>> -> memref<632x128xf32, #tpu.memory_space<vmem_shared>>
      tpu.wait_dma2 semaphore(%run_scoped3A : memref<!tpu.dma_semaphore, #tpu.memory_space<semaphore_mem>>) src(%arg5 : memref<632x128xf32, #tpu.memory_space<hbm>>) dst(%dma_wait3A_14 : memref<632x128xf32, #tpu.memory_space<vmem_shared>>)
      tpu.yield
    }) : () -> ()
    %barrier3A = arith.constant 0 : index
    tpu.barrier barrier_id(%barrier3A)
    %scan3A = arith.constant 0 : i32
    %scan3A_3 = arith.constant 0 : i32
    %scan3A_4 = arith.constant 79 : i32
    %scan3A_5 = arith.addi %scan3A_3, %scan3A_4 : i32
    %scan3A_6 = arith.constant 1 : i32
    scf.for %scan3A_13 = %scan3A_3 to %scan3A_5 step %scan3A_6  : i32 {
      %dma_start3A = arith.constant 0 : i32
      %dma_start3A_14 = tpu.memref_slice %arg7[%scan3A_13, %dma_start3A] : memref<79x128xi32, #tpu.memory_space<vmem>> -> memref<1x128xi32, #tpu.memory_space<vmem>>
      %dma_start3A_15 = tpu.memref_squeeze %dma_start3A_14 : memref<1x128xi32, #tpu.memory_space<vmem>> -> memref<128xi32, #tpu.memory_space<vmem>>
      %dma_start3A_16 = arith.constant 0 : i32
      %dma_start3A_17 = arith.constant 0 : i32
      %dma_start3A_18 = tpu.memref_slice %arg2[%dma_start3A_16, %dma_start3A_17] : memref<10112x128xf32, #tpu.memory_space<hbm>> -> memref<10112x128xf32, #tpu.memory_space<hbm>>
      tpu.enqueue_indirect_dma source(%dma_start3A_18 : memref<10112x128xf32, #tpu.memory_space<hbm>>) target(%arg9 : memref<128x128xf32, #tpu.memory_space<vmem>>) offsets(%dma_start3A_15 : memref<128xi32, #tpu.memory_space<vmem>>) semaphore(%arg11 : memref<!tpu.dma_semaphore, #tpu.memory_space<semaphore_mem>>)
      %dma_wait3A = arith.constant 0 : i32
      %dma_wait3A_19 = tpu.memref_slice %arg7[%scan3A_13, %dma_wait3A] : memref<79x128xi32, #tpu.memory_space<vmem>> -> memref<1x128xi32, #tpu.memory_space<vmem>>
      %dma_wait3A_20 = tpu.memref_squeeze %dma_wait3A_19 : memref<1x128xi32, #tpu.memory_space<vmem>> -> memref<128xi32, #tpu.memory_space<vmem>>
      %dma_wait3A_21 = arith.constant 0 : i32
      %dma_wait3A_22 = arith.constant 0 : i32
      %dma_wait3A_23 = tpu.memref_slice %arg2[%dma_wait3A_21, %dma_wait3A_22] : memref<10112x128xf32, #tpu.memory_space<hbm>> -> memref<10112x128xf32, #tpu.memory_space<hbm>>
      tpu.wait_indirect_dma semaphore(%arg11 : memref<!tpu.dma_semaphore, #tpu.memory_space<semaphore_mem>>) src(%dma_wait3A_23 : memref<10112x128xf32, #tpu.memory_space<hbm>>) dst(%arg9 : memref<128x128xf32, #tpu.memory_space<vmem>>)
      "tpu.region"() ({
        %run_scoped3A = tpu.sem_alloc : memref<!tpu.dma_semaphore, #tpu.memory_space<semaphore_mem>>
        %dma_start3A_24 = arith.constant 0 : i32
        %dma_start3A_25 = tpu.memref_slice %arg8[%scan3A_13, %dma_start3A_24] : memref<79x128xi32, #tpu.memory_space<vmem>> -> memref<1x128xi32, #tpu.memory_space<vmem>>
        %dma_start3A_26 = tpu.memref_squeeze %dma_start3A_25 : memref<1x128xi32, #tpu.memory_space<vmem>> -> memref<128xi32, #tpu.memory_space<vmem>>
        %dma_start3A_27 = arith.constant 0 : i32
        %dma_start3A_28 = arith.constant 0 : i32
        %dma_start3A_29 = tpu.memref_slice %arg10[%dma_start3A_27, %dma_start3A_28] : memref<10112x128xf32, #tpu.memory_space<vmem_shared>> -> memref<10112x128xf32, #tpu.memory_space<vmem_shared>>
        tpu.enqueue_indirect_dma source(%arg9 : memref<128x128xf32, #tpu.memory_space<vmem>>) target(%dma_start3A_29 : memref<10112x128xf32, #tpu.memory_space<vmem_shared>>) offsets(%dma_start3A_26 : memref<128xi32, #tpu.memory_space<vmem>>) semaphore(%run_scoped3A : memref<!tpu.dma_semaphore, #tpu.memory_space<semaphore_mem>>) {add = true}
        %dma_wait3A_30 = arith.constant 0 : i32
        %dma_wait3A_31 = tpu.memref_slice %arg8[%scan3A_13, %dma_wait3A_30] : memref<79x128xi32, #tpu.memory_space<vmem>> -> memref<1x128xi32, #tpu.memory_space<vmem>>
        %dma_wait3A_32 = tpu.memref_squeeze %dma_wait3A_31 : memref<1x128xi32, #tpu.memory_space<vmem>> -> memref<128xi32, #tpu.memory_space<vmem>>
        %dma_wait3A_33 = arith.constant 0 : i32
        %dma_wait3A_34 = arith.constant 0 : i32
        %dma_wait3A_35 = tpu.memref_slice %arg10[%dma_wait3A_33, %dma_wait3A_34] : memref<10112x128xf32, #tpu.memory_space<vmem_shared>> -> memref<10112x128xf32, #tpu.memory_space<vmem_shared>>
        tpu.wait_indirect_dma semaphore(%run_scoped3A : memref<!tpu.dma_semaphore, #tpu.memory_space<semaphore_mem>>) src(%arg9 : memref<128x128xf32, #tpu.memory_space<vmem>>) dst(%dma_wait3A_35 : memref<10112x128xf32, #tpu.memory_space<vmem_shared>>)
        tpu.yield
      }) : () -> ()
    }
    %scan3A_7 = arith.constant 79 : i32
    %barrier3A_8 = arith.constant 0 : index
    tpu.barrier barrier_id(%barrier3A_8)
    %mul3A_9 = arith.constant 632 : i32
    %mul3A_10 = arith.muli %arg1, %mul3A_9 : i32
    %mul3A_11 = arith.constant 632 : i32
    %mul3A_12 = arith.muli %arg1, %mul3A_11 : i32
    "tpu.region"() ({
      %run_scoped3A = tpu.sem_alloc : memref<!tpu.dma_semaphore, #tpu.memory_space<semaphore_mem>>
      %dma_start3A = arith.constant 0 : i32
      %dma_start3A_13 = tpu.memref_slice %arg6[%arg0, %mul3A_12, %dma_start3A] : memref<2x10112x128xf32, #tpu.memory_space<hbm>> -> memref<1x632x128xf32, #tpu.memory_space<hbm>>
      %dma_start3A_14 = tpu.memref_squeeze %dma_start3A_13 : memref<1x632x128xf32, #tpu.memory_space<hbm>> -> memref<632x128xf32, #tpu.memory_space<hbm>>
      %dma_start3A_15 = arith.constant 0 : i32
      %dma_start3A_16 = tpu.memref_slice %arg10[%mul3A_10, %dma_start3A_15] : memref<10112x128xf32, #tpu.memory_space<vmem_shared>> -> memref<632x128xf32, #tpu.memory_space<vmem_shared>>
      tpu.enqueue_dma source(%dma_start3A_16 : memref<632x128xf32, #tpu.memory_space<vmem_shared>>) target(%dma_start3A_14 : memref<632x128xf32, #tpu.memory_space<hbm>>) target_semaphore(%run_scoped3A : memref<!tpu.dma_semaphore, #tpu.memory_space<semaphore_mem>>)
      %dma_wait3A = arith.constant 0 : i32
      %dma_wait3A_17 = tpu.memref_slice %arg6[%arg0, %mul3A_12, %dma_wait3A] : memref<2x10112x128xf32, #tpu.memory_space<hbm>> -> memref<1x632x128xf32, #tpu.memory_space<hbm>>
      %dma_wait3A_18 = tpu.memref_squeeze %dma_wait3A_17 : memref<1x632x128xf32, #tpu.memory_space<hbm>> -> memref<632x128xf32, #tpu.memory_space<hbm>>
      %dma_wait3A_19 = arith.constant 0 : i32
      %dma_wait3A_20 = tpu.memref_slice %arg10[%mul3A_10, %dma_wait3A_19] : memref<10112x128xf32, #tpu.memory_space<vmem_shared>> -> memref<632x128xf32, #tpu.memory_space<vmem_shared>>
      tpu.wait_dma2 semaphore(%run_scoped3A : memref<!tpu.dma_semaphore, #tpu.memory_space<semaphore_mem>>) src(%dma_wait3A_20 : memref<632x128xf32, #tpu.memory_space<vmem_shared>>) dst(%dma_wait3A_18 : memref<632x128xf32, #tpu.memory_space<hbm>>)
      tpu.yield
    }) : () -> ()
    return
  }
}

#map = affine_map<(d0, d1) -> (0, 0)>
#map1 = affine_map<(d0, d1) -> (0, 0, 0)>
module attributes {stable_mosaic.version = 14 : i64} {
  func.func @seg_sum(%arg0: i32, %arg1: i32, %arg2: memref<10112x128xf32, #tpu.memory_space<hbm>>, %arg3: memref<32x79x128xi32, #tpu.memory_space<hbm>>, %arg4: memref<32x79x128xi32, #tpu.memory_space<hbm>>, %arg5: memref<632x128xf32, #tpu.memory_space<hbm>>, %arg6: memref<2x10112x128xf32, #tpu.memory_space<hbm>>, %arg7: memref<79x128xi32, #tpu.memory_space<vmem>>, %arg8: memref<79x128xi32, #tpu.memory_space<vmem>>, %arg9: memref<128x128xf32, #tpu.memory_space<vmem>>, %arg10: memref<10112x128xf32, #tpu.memory_space<vmem_shared>>, %arg11: memref<!tpu.dma_semaphore, #tpu.memory_space<semaphore_mem>>) attributes {dimension_semantics = [#tpu.dimension_semantics<core_parallel>, #tpu.dimension_semantics<subcore_parallel>], iteration_bounds = array<i64: 2, 16>, scalar_prefetch = 0 : i64, scratch_operands = 5 : i64, tpu.core_type = #tpu.core_type<sc_vector_subcore>, window_params = [{transform_indices = #map}, {transform_indices = #map1}, {transform_indices = #map1}, {transform_indices = #map}, {transform_indices = #map1}]} {
    %mul3A = arith.constant 16 : i32
    %mul3A_0 = arith.muli %arg0, %mul3A : i32
    %add3A = arith.addi %mul3A_0, %arg1 : i32
    "tpu.region"() ({
      %run_scoped3A = tpu.sem_alloc : memref<!tpu.dma_semaphore, #tpu.memory_space<semaphore_mem>>
      %dma_start3A = arith.constant 0 : i32
      %dma_start3A_13 = arith.constant 0 : i32
      %dma_start3A_14 = tpu.memref_slice %arg3[%add3A, %dma_start3A, %dma_start3A_13] : memref<32x79x128xi32, #tpu.memory_space<hbm>> -> memref<1x79x128xi32, #tpu.memory_space<hbm>>
      %dma_start3A_15 = tpu.memref_squeeze %dma_start3A_14 : memref<1x79x128xi32, #tpu.memory_space<hbm>> -> memref<79x128xi32, #tpu.memory_space<hbm>>
      %dma_start3A_16 = arith.constant 0 : i32
      %dma_start3A_17 = arith.constant 0 : i32
      %dma_start3A_18 = tpu.memref_slice %arg3[%add3A, %dma_start3A_16, %dma_start3A_17] : memref<32x79x128xi32, #tpu.memory_space<hbm>> -> memref<1x79x128xi32, #tpu.memory_space<hbm>>
      %dma_start3A_19 = tpu.memref_squeeze %dma_start3A_18 : memref<1x79x128xi32, #tpu.memory_space<hbm>> -> memref<79x128xi32, #tpu.memory_space<hbm>>
      tpu.enqueue_dma source(%dma_start3A_19 : memref<79x128xi32, #tpu.memory_space<hbm>>) target(%arg7 : memref<79x128xi32, #tpu.memory_space<vmem>>) target_semaphore(%run_scoped3A : memref<!tpu.dma_semaphore, #tpu.memory_space<semaphore_mem>>)
      %dma_wait3A = arith.constant 0 : i32
      %dma_wait3A_20 = arith.constant 0 : i32
      %dma_wait3A_21 = tpu.memref_slice %arg3[%add3A, %dma_wait3A, %dma_wait3A_20] : memref<32x79x128xi32, #tpu.memory_space<hbm>> -> memref<1x79x128xi32, #tpu.memory_space<hbm>>
      %dma_wait3A_22 = tpu.memref_squeeze %dma_wait3A_21 : memref<1x79x128xi32, #tpu.memory_space<hbm>> -> memref<79x128xi32, #tpu.memory_space<hbm>>
      %dma_wait3A_23 = arith.constant 0 : i32
      %dma_wait3A_24 = arith.constant 0 : i32
      %dma_wait3A_25 = tpu.memref_slice %arg3[%add3A, %dma_wait3A_23, %dma_wait3A_24] : memref<32x79x128xi32, #tpu.memory_space<hbm>> -> memref<1x79x128xi32, #tpu.memory_space<hbm>>
      %dma_wait3A_26 = tpu.memref_squeeze %dma_wait3A_25 : memref<1x79x128xi32, #tpu.memory_space<hbm>> -> memref<79x128xi32, #tpu.memory_space<hbm>>
      tpu.wait_dma2 semaphore(%run_scoped3A : memref<!tpu.dma_semaphore, #tpu.memory_space<semaphore_mem>>) src(%dma_wait3A_26 : memref<79x128xi32, #tpu.memory_space<hbm>>) dst(%arg7 : memref<79x128xi32, #tpu.memory_space<vmem>>)
      tpu.yield
    }) : () -> ()
    "tpu.region"() ({
      %run_scoped3A = tpu.sem_alloc : memref<!tpu.dma_semaphore, #tpu.memory_space<semaphore_mem>>
      %dma_start3A = arith.constant 0 : i32
      %dma_start3A_13 = arith.constant 0 : i32
      %dma_start3A_14 = tpu.memref_slice %arg4[%add3A, %dma_start3A, %dma_start3A_13] : memref<32x79x128xi32, #tpu.memory_space<hbm>> -> memref<1x79x128xi32, #tpu.memory_space<hbm>>
      %dma_start3A_15 = tpu.memref_squeeze %dma_start3A_14 : memref<1x79x128xi32, #tpu.memory_space<hbm>> -> memref<79x128xi32, #tpu.memory_space<hbm>>
      %dma_start3A_16 = arith.constant 0 : i32
      %dma_start3A_17 = arith.constant 0 : i32
      %dma_start3A_18 = tpu.memref_slice %arg4[%add3A, %dma_start3A_16, %dma_start3A_17] : memref<32x79x128xi32, #tpu.memory_space<hbm>> -> memref<1x79x128xi32, #tpu.memory_space<hbm>>
      %dma_start3A_19 = tpu.memref_squeeze %dma_start3A_18 : memref<1x79x128xi32, #tpu.memory_space<hbm>> -> memref<79x128xi32, #tpu.memory_space<hbm>>
      tpu.enqueue_dma source(%dma_start3A_19 : memref<79x128xi32, #tpu.memory_space<hbm>>) target(%arg8 : memref<79x128xi32, #tpu.memory_space<vmem>>) target_semaphore(%run_scoped3A : memref<!tpu.dma_semaphore, #tpu.memory_space<semaphore_mem>>)
      %dma_wait3A = arith.constant 0 : i32
      %dma_wait3A_20 = arith.constant 0 : i32
      %dma_wait3A_21 = tpu.memref_slice %arg4[%add3A, %dma_wait3A, %dma_wait3A_20] : memref<32x79x128xi32, #tpu.memory_space<hbm>> -> memref<1x79x128xi32, #tpu.memory_space<hbm>>
      %dma_wait3A_22 = tpu.memref_squeeze %dma_wait3A_21 : memref<1x79x128xi32, #tpu.memory_space<hbm>> -> memref<79x128xi32, #tpu.memory_space<hbm>>
      %dma_wait3A_23 = arith.constant 0 : i32
      %dma_wait3A_24 = arith.constant 0 : i32
      %dma_wait3A_25 = tpu.memref_slice %arg4[%add3A, %dma_wait3A_23, %dma_wait3A_24] : memref<32x79x128xi32, #tpu.memory_space<hbm>> -> memref<1x79x128xi32, #tpu.memory_space<hbm>>
      %dma_wait3A_26 = tpu.memref_squeeze %dma_wait3A_25 : memref<1x79x128xi32, #tpu.memory_space<hbm>> -> memref<79x128xi32, #tpu.memory_space<hbm>>
      tpu.wait_dma2 semaphore(%run_scoped3A : memref<!tpu.dma_semaphore, #tpu.memory_space<semaphore_mem>>) src(%dma_wait3A_26 : memref<79x128xi32, #tpu.memory_space<hbm>>) dst(%arg8 : memref<79x128xi32, #tpu.memory_space<vmem>>)
      tpu.yield
    }) : () -> ()
    %mul3A_1 = arith.constant 632 : i32
    %mul3A_2 = arith.muli %arg1, %mul3A_1 : i32
    "tpu.region"() ({
      %run_scoped3A = tpu.sem_alloc : memref<!tpu.dma_semaphore, #tpu.memory_space<semaphore_mem>>
      %dma_start3A = arith.constant 0 : i32
      %dma_start3A_13 = tpu.memref_slice %arg10[%mul3A_2, %dma_start3A] : memref<10112x128xf32, #tpu.memory_space<vmem_shared>> -> memref<632x128xf32, #tpu.memory_space<vmem_shared>>
      tpu.enqueue_dma source(%arg5 : memref<632x128xf32, #tpu.memory_space<hbm>>) target(%dma_start3A_13 : memref<632x128xf32, #tpu.memory_space<vmem_shared>>) target_semaphore(%run_scoped3A : memref<!tpu.dma_semaphore, #tpu.memory_space<semaphore_mem>>)
      %dma_wait3A = arith.constant 0 : i32
      %dma_wait3A_14 = tpu.memref_slice %arg10[%mul3A_2, %dma_wait3A] : memref<10112x128xf32, #tpu.memory_space<vmem_shared>> -> memref<632x128xf32, #tpu.memory_space<vmem_shared>>
      tpu.wait_dma2 semaphore(%run_scoped3A : memref<!tpu.dma_semaphore, #tpu.memory_space<semaphore_mem>>) src(%arg5 : memref<632x128xf32, #tpu.memory_space<hbm>>) dst(%dma_wait3A_14 : memref<632x128xf32, #tpu.memory_space<vmem_shared>>)
      tpu.yield
    }) : () -> ()
    %barrier3A = arith.constant 0 : index
    tpu.barrier barrier_id(%barrier3A)
    %scan3A = arith.constant 0 : i32
    %scan3A_3 = arith.constant 0 : i32
    %scan3A_4 = arith.constant 79 : i32
    %scan3A_5 = arith.addi %scan3A_3, %scan3A_4 : i32
    %scan3A_6 = arith.constant 1 : i32
    scf.for %scan3A_13 = %scan3A_3 to %scan3A_5 step %scan3A_6  : i32 {
      %dma_start3A = arith.constant 0 : i32
      %dma_start3A_14 = tpu.memref_slice %arg7[%scan3A_13, %dma_start3A] : memref<79x128xi32, #tpu.memory_space<vmem>> -> memref<1x128xi32, #tpu.memory_space<vmem>>
      %dma_start3A_15 = tpu.memref_squeeze %dma_start3A_14 : memref<1x128xi32, #tpu.memory_space<vmem>> -> memref<128xi32, #tpu.memory_space<vmem>>
      %dma_start3A_16 = arith.constant 0 : i32
      %dma_start3A_17 = arith.constant 0 : i32
      %dma_start3A_18 = tpu.memref_slice %arg2[%dma_start3A_16, %dma_start3A_17] : memref<10112x128xf32, #tpu.memory_space<hbm>> -> memref<10112x128xf32, #tpu.memory_space<hbm>>
      tpu.enqueue_indirect_dma source(%dma_start3A_18 : memref<10112x128xf32, #tpu.memory_space<hbm>>) target(%arg9 : memref<128x128xf32, #tpu.memory_space<vmem>>) offsets(%dma_start3A_15 : memref<128xi32, #tpu.memory_space<vmem>>) semaphore(%arg11 : memref<!tpu.dma_semaphore, #tpu.memory_space<semaphore_mem>>)
      %dma_wait3A = arith.constant 0 : i32
      %dma_wait3A_19 = tpu.memref_slice %arg7[%scan3A_13, %dma_wait3A] : memref<79x128xi32, #tpu.memory_space<vmem>> -> memref<1x128xi32, #tpu.memory_space<vmem>>
      %dma_wait3A_20 = tpu.memref_squeeze %dma_wait3A_19 : memref<1x128xi32, #tpu.memory_space<vmem>> -> memref<128xi32, #tpu.memory_space<vmem>>
      %dma_wait3A_21 = arith.constant 0 : i32
      %dma_wait3A_22 = arith.constant 0 : i32
      %dma_wait3A_23 = tpu.memref_slice %arg2[%dma_wait3A_21, %dma_wait3A_22] : memref<10112x128xf32, #tpu.memory_space<hbm>> -> memref<10112x128xf32, #tpu.memory_space<hbm>>
      tpu.wait_indirect_dma semaphore(%arg11 : memref<!tpu.dma_semaphore, #tpu.memory_space<semaphore_mem>>) src(%dma_wait3A_23 : memref<10112x128xf32, #tpu.memory_space<hbm>>) dst(%arg9 : memref<128x128xf32, #tpu.memory_space<vmem>>)
      "tpu.region"() ({
        %run_scoped3A = tpu.sem_alloc : memref<!tpu.dma_semaphore, #tpu.memory_space<semaphore_mem>>
        %dma_start3A_24 = arith.constant 0 : i32
        %dma_start3A_25 = tpu.memref_slice %arg8[%scan3A_13, %dma_start3A_24] : memref<79x128xi32, #tpu.memory_space<vmem>> -> memref<1x128xi32, #tpu.memory_space<vmem>>
        %dma_start3A_26 = tpu.memref_squeeze %dma_start3A_25 : memref<1x128xi32, #tpu.memory_space<vmem>> -> memref<128xi32, #tpu.memory_space<vmem>>
        %dma_start3A_27 = arith.constant 0 : i32
        %dma_start3A_28 = arith.constant 0 : i32
        %dma_start3A_29 = tpu.memref_slice %arg10[%dma_start3A_27, %dma_start3A_28] : memref<10112x128xf32, #tpu.memory_space<vmem_shared>> -> memref<10112x128xf32, #tpu.memory_space<vmem_shared>>
        tpu.enqueue_indirect_dma source(%arg9 : memref<128x128xf32, #tpu.memory_space<vmem>>) target(%dma_start3A_29 : memref<10112x128xf32, #tpu.memory_space<vmem_shared>>) offsets(%dma_start3A_26 : memref<128xi32, #tpu.memory_space<vmem>>) semaphore(%run_scoped3A : memref<!tpu.dma_semaphore, #tpu.memory_space<semaphore_mem>>) {add = true}
        %dma_wait3A_30 = arith.constant 0 : i32
        %dma_wait3A_31 = tpu.memref_slice %arg8[%scan3A_13, %dma_wait3A_30] : memref<79x128xi32, #tpu.memory_space<vmem>> -> memref<1x128xi32, #tpu.memory_space<vmem>>
        %dma_wait3A_32 = tpu.memref_squeeze %dma_wait3A_31 : memref<1x128xi32, #tpu.memory_space<vmem>> -> memref<128xi32, #tpu.memory_space<vmem>>
        %dma_wait3A_33 = arith.constant 0 : i32
        %dma_wait3A_34 = arith.constant 0 : i32
        %dma_wait3A_35 = tpu.memref_slice %arg10[%dma_wait3A_33, %dma_wait3A_34] : memref<10112x128xf32, #tpu.memory_space<vmem_shared>> -> memref<10112x128xf32, #tpu.memory_space<vmem_shared>>
        tpu.wait_indirect_dma semaphore(%run_scoped3A : memref<!tpu.dma_semaphore, #tpu.memory_space<semaphore_mem>>) src(%arg9 : memref<128x128xf32, #tpu.memory_space<vmem>>) dst(%dma_wait3A_35 : memref<10112x128xf32, #tpu.memory_space<vmem_shared>>)
        tpu.yield
      }) : () -> ()
    }
    %scan3A_7 = arith.constant 79 : i32
    %barrier3A_8 = arith.constant 0 : index
    tpu.barrier barrier_id(%barrier3A_8)
    %mul3A_9 = arith.constant 632 : i32
    %mul3A_10 = arith.muli %arg1, %mul3A_9 : i32
    %mul3A_11 = arith.constant 632 : i32
    %mul3A_12 = arith.muli %arg1, %mul3A_11 : i32
    "tpu.region"() ({
      %run_scoped3A = tpu.sem_alloc : memref<!tpu.dma_semaphore, #tpu.memory_space<semaphore_mem>>
      %dma_start3A = arith.constant 0 : i32
      %dma_start3A_13 = tpu.memref_slice %arg6[%arg0, %mul3A_12, %dma_start3A] : memref<2x10112x128xf32, #tpu.memory_space<hbm>> -> memref<1x632x128xf32, #tpu.memory_space<hbm>>
      %dma_start3A_14 = tpu.memref_squeeze %dma_start3A_13 : memref<1x632x128xf32, #tpu.memory_space<hbm>> -> memref<632x128xf32, #tpu.memory_space<hbm>>
      %dma_start3A_15 = arith.constant 0 : i32
      %dma_start3A_16 = tpu.memref_slice %arg10[%mul3A_10, %dma_start3A_15] : memref<10112x128xf32, #tpu.memory_space<vmem_shared>> -> memref<632x128xf32, #tpu.memory_space<vmem_shared>>
      tpu.enqueue_dma source(%dma_start3A_16 : memref<632x128xf32, #tpu.memory_space<vmem_shared>>) target(%dma_start3A_14 : memref<632x128xf32, #tpu.memory_space<hbm>>) target_semaphore(%run_scoped3A : memref<!tpu.dma_semaphore, #tpu.memory_space<semaphore_mem>>)
      %dma_wait3A = arith.constant 0 : i32
      %dma_wait3A_17 = tpu.memref_slice %arg6[%arg0, %mul3A_12, %dma_wait3A] : memref<2x10112x128xf32, #tpu.memory_space<hbm>> -> memref<1x632x128xf32, #tpu.memory_space<hbm>>
      %dma_wait3A_18 = tpu.memref_squeeze %dma_wait3A_17 : memref<1x632x128xf32, #tpu.memory_space<hbm>> -> memref<632x128xf32, #tpu.memory_space<hbm>>
      %dma_wait3A_19 = arith.constant 0 : i32
      %dma_wait3A_20 = tpu.memref_slice %arg10[%mul3A_10, %dma_wait3A_19] : memref<10112x128xf32, #tpu.memory_space<vmem_shared>> -> memref<632x128xf32, #tpu.memory_space<vmem_shared>>
      tpu.wait_dma2 semaphore(%run_scoped3A : memref<!tpu.dma_semaphore, #tpu.memory_space<semaphore_mem>>) src(%dma_wait3A_20 : memref<632x128xf32, #tpu.memory_space<vmem_shared>>) dst(%dma_wait3A_18 : memref<632x128xf32, #tpu.memory_space<hbm>>)
      tpu.yield
    }) : () -> ()
    return
  }
}

module attributes {stable_mosaic.version = 14 : i64} {
  func.func @body(%arg0: i32, %arg1: memref<1xf32, #tpu.memory_space<smem>>, %arg2: memref<2528x128xf32, #tpu.memory_space<vmem>>, %arg3: memref<2528x128xf32, #tpu.memory_space<vmem>>, %arg4: memref<2528x128xf32, #tpu.memory_space<vmem>>, %arg5: memref<128x128xf32, #tpu.memory_space<vmem>>, %arg6: memref<1x128xf32, #tpu.memory_space<vmem>>, %arg7: memref<128x128xf32, #tpu.memory_space<vmem>>, %arg8: memref<1x128xf32, #tpu.memory_space<vmem>>, %arg9: memref<2528x128xf32, #tpu.memory_space<vmem>>) attributes {dimension_semantics = [#tpu.dimension_semantics<arbitrary>], iteration_bounds = array<i64: 4>, scalar_prefetch = 0 : i64, scratch_operands = 0 : i64, tpu.core_type = #tpu.core_type<tc>, window_params = [{transform_indices = @transform_0, window_bounds = array<i64: 1>}, {transform_indices = @transform_1, window_bounds = array<i64: 2528, 128>}, {transform_indices = @transform_2, window_bounds = array<i64: 2528, 128>}, {transform_indices = @transform_3, window_bounds = array<i64: 2528, 128>}, {pipeline_mode = #tpu.pipeline_mode<synchronous>, transform_indices = @transform_4, window_bounds = array<i64: 128, 128>}, {pipeline_mode = #tpu.pipeline_mode<synchronous>, transform_indices = @transform_5, window_bounds = array<i64: 1, 128>}, {pipeline_mode = #tpu.pipeline_mode<synchronous>, transform_indices = @transform_6, window_bounds = array<i64: 128, 128>}, {pipeline_mode = #tpu.pipeline_mode<synchronous>, transform_indices = @transform_7, window_bounds = array<i64: 1, 128>}, {transform_indices = @transform_8, window_bounds = array<i64: 2528, 128>}]} {
    %get3A = arith.constant 0 : index
    %get3A_0 = memref.load %arg1[%get3A] : memref<1xf32, #tpu.memory_space<smem>>
    %add3A = arith.constant 1.000000e+00 : f32
    %add3A_1 = arith.addf %add3A, %get3A_0 : f32
    %get3A_2 = arith.constant 0 : index
    %get3A_3 = arith.constant 0 : index
    %get3A_4 = vector.load %arg2[%get3A_2, %get3A_3] : memref<2528x128xf32, #tpu.memory_space<vmem>>, vector<2528x128xf32>
    %mul3A = vector.broadcast %add3A_1 : f32 to vector<2528x128xf32>
    %mul3A_5 = arith.mulf %mul3A, %get3A_4 : vector<2528x128xf32>
    %get3A_6 = arith.constant 0 : index
    %get3A_7 = arith.constant 0 : index
    %get3A_8 = vector.load %arg3[%get3A_6, %get3A_7] : memref<2528x128xf32, #tpu.memory_space<vmem>>, vector<2528x128xf32>
    %add3A_9 = arith.addf %mul3A_5, %get3A_8 : vector<2528x128xf32>
    %get3A_10 = arith.constant 0 : index
    %get3A_11 = arith.constant 0 : index
    %get3A_12 = vector.load %arg4[%get3A_10, %get3A_11] : memref<2528x128xf32, #tpu.memory_space<vmem>>, vector<2528x128xf32>
    %add3A_13 = arith.addf %add3A_9, %get3A_12 : vector<2528x128xf32>
    %get3A_14 = arith.constant 0 : index
    %get3A_15 = arith.constant 0 : index
    %get3A_16 = vector.load %arg5[%get3A_14, %get3A_15] : memref<128x128xf32, #tpu.memory_space<vmem>>, vector<128x128xf32>
    %dot_general3A = arith.constant dense<0.000000e+00> : vector<2528x128xf32>
    %dot_general3A_17 = tpu.matmul %add3A_13, %get3A_16, %dot_general3A {dimension_numbers = #tpu.dot_dimension_numbers<[1], [0], [0], [1], [0, 0, 1, 1], [], []>, transpose_lhs_hint = false} : vector<2528x128xf32>, vector<128x128xf32>, vector<2528x128xf32> -> vector<2528x128xf32>
    %get3A_18 = arith.constant 0 : index
    %get3A_19 = arith.constant 0 : index
    %get3A_20 = vector.load %arg6[%get3A_18, %get3A_19] : memref<1x128xf32, #tpu.memory_space<vmem>>, vector<1x128xf32>
    %add3A_21 = vector.broadcast %get3A_20 : vector<1x128xf32> to vector<2528x128xf32>
    %add3A_22 = arith.addf %dot_general3A_17, %add3A_21 : vector<2528x128xf32>
    %max3A = arith.constant 0.000000e+00 : f32
    %max3A_23 = vector.broadcast %max3A : f32 to vector<2528x128xf32>
    %max3A_24 = arith.maximumf %add3A_22, %max3A_23 : vector<2528x128xf32>
    %get3A_25 = arith.constant 0 : index
    %get3A_26 = arith.constant 0 : index
    %get3A_27 = vector.load %arg7[%get3A_25, %get3A_26] : memref<128x128xf32, #tpu.memory_space<vmem>>, vector<128x128xf32>
    %dot_general3A_28 = arith.constant dense<0.000000e+00> : vector<2528x128xf32>
    %dot_general3A_29 = tpu.matmul %max3A_24, %get3A_27, %dot_general3A_28 {dimension_numbers = #tpu.dot_dimension_numbers<[1], [0], [0], [1], [0, 0, 1, 1], [], []>, transpose_lhs_hint = false} : vector<2528x128xf32>, vector<128x128xf32>, vector<2528x128xf32> -> vector<2528x128xf32>
    %get3A_30 = arith.constant 0 : index
    %get3A_31 = arith.constant 0 : index
    %get3A_32 = vector.load %arg8[%get3A_30, %get3A_31] : memref<1x128xf32, #tpu.memory_space<vmem>>, vector<1x128xf32>
    %add3A_33 = vector.broadcast %get3A_32 : vector<1x128xf32> to vector<2528x128xf32>
    %add3A_34 = arith.addf %dot_general3A_29, %add3A_33 : vector<2528x128xf32>
    %max3A_35 = arith.constant 0.000000e+00 : f32
    %max3A_36 = vector.broadcast %max3A_35 : f32 to vector<2528x128xf32>
    %max3A_37 = arith.maximumf %add3A_34, %max3A_36 : vector<2528x128xf32>
    %swap3A = arith.constant 0 : index
    %swap3A_38 = arith.constant 0 : index
    %swap3A_39 = vector.load %arg9[%swap3A, %swap3A_38] : memref<2528x128xf32, #tpu.memory_space<vmem>>, vector<2528x128xf32>
    tpu.vector_store %arg9[%swap3A, %swap3A_38], %max3A_37 {strides = array<i32>} : memref<2528x128xf32, #tpu.memory_space<vmem>>, vector<2528x128xf32>,
    return
  }
  func.func @transform_0(%arg0: i32) -> i32 {
    %c0_i32 = arith.constant 0 : i32
    %c0_i32_0 = arith.constant 0 : i32
    return %c0_i32 : i32
  }
  func.func @transform_1(%arg0: i32) -> (i32, i32) {
    %c0_i32 = arith.constant 0 : i32
    %c0_i32_0 = arith.constant 0 : i32
    return %arg0, %c0_i32 : i32, i32
  }
  func.func @transform_2(%arg0: i32) -> (i32, i32) {
    %c0_i32 = arith.constant 0 : i32
    %c0_i32_0 = arith.constant 0 : i32
    return %arg0, %c0_i32 : i32, i32
  }
  func.func @transform_3(%arg0: i32) -> (i32, i32) {
    %c0_i32 = arith.constant 0 : i32
    %c0_i32_0 = arith.constant 0 : i32
    return %arg0, %c0_i32 : i32, i32
  }
  func.func @transform_4(%arg0: i32) -> (i32, i32) {
    %c0_i32 = arith.constant 0 : i32
    %c0_i32_0 = arith.constant 0 : i32
    %c0_i32_1 = arith.constant 0 : i32
    return %c0_i32, %c0_i32_0 : i32, i32
  }
  func.func @transform_5(%arg0: i32) -> (i32, i32) {
    %c0_i32 = arith.constant 0 : i32
    %c0_i32_0 = arith.constant 0 : i32
    %c0_i32_1 = arith.constant 0 : i32
    return %c0_i32, %c0_i32_0 : i32, i32
  }
  func.func @transform_6(%arg0: i32) -> (i32, i32) {
    %c0_i32 = arith.constant 0 : i32
    %c0_i32_0 = arith.constant 0 : i32
    %c0_i32_1 = arith.constant 0 : i32
    return %c0_i32, %c0_i32_0 : i32, i32
  }
  func.func @transform_7(%arg0: i32) -> (i32, i32) {
    %c0_i32 = arith.constant 0 : i32
    %c0_i32_0 = arith.constant 0 : i32
    %c0_i32_1 = arith.constant 0 : i32
    return %c0_i32, %c0_i32_0 : i32, i32
  }
  func.func @transform_8(%arg0: i32) -> (i32, i32) {
    %c0_i32 = arith.constant 0 : i32
    %c0_i32_0 = arith.constant 0 : i32
    return %arg0, %c0_i32 : i32, i32
  }
}

module attributes {stable_mosaic.version = 14 : i64} {
  func.func @body(%arg0: i32, %arg1: memref<1xf32, #tpu.memory_space<smem>>, %arg2: memref<1xf32, #tpu.memory_space<smem>>, %arg3: memref<2528x128xf32, #tpu.memory_space<vmem>>, %arg4: memref<2528x128xf32, #tpu.memory_space<vmem>>, %arg5: memref<2528x128xf32, #tpu.memory_space<vmem>>, %arg6: memref<128x128xf32, #tpu.memory_space<vmem>>, %arg7: memref<1x128xf32, #tpu.memory_space<vmem>>, %arg8: memref<128x128xf32, #tpu.memory_space<vmem>>, %arg9: memref<1x128xf32, #tpu.memory_space<vmem>>, %arg10: memref<2528x1xi32, #tpu.memory_space<vmem>>, %arg11: memref<128x1xf32, #tpu.memory_space<vmem>>, %arg12: memref<64x128xf32, #tpu.memory_space<vmem>>, %arg13: memref<64x128xf32, #tpu.memory_space<vmem>>, %arg14: memref<64x128xf32, #tpu.memory_space<vmem>>) attributes {dimension_semantics = [#tpu.dimension_semantics<arbitrary>], iteration_bounds = array<i64: 4>, scalar_prefetch = 0 : i64, scratch_operands = 2 : i64, tpu.core_type = #tpu.core_type<tc>, window_params = [{transform_indices = @transform_0, window_bounds = array<i64: 1>}, {transform_indices = @transform_1, window_bounds = array<i64: 1>}, {transform_indices = @transform_2, window_bounds = array<i64: 2528, 128>}, {transform_indices = @transform_3, window_bounds = array<i64: 2528, 128>}, {transform_indices = @transform_4, window_bounds = array<i64: 2528, 128>}, {pipeline_mode = #tpu.pipeline_mode<synchronous>, transform_indices = @transform_5, window_bounds = array<i64: 128, 128>}, {pipeline_mode = #tpu.pipeline_mode<synchronous>, transform_indices = @transform_6, window_bounds = array<i64: 1, 128>}, {pipeline_mode = #tpu.pipeline_mode<synchronous>, transform_indices = @transform_7, window_bounds = array<i64: 128, 128>}, {pipeline_mode = #tpu.pipeline_mode<synchronous>, transform_indices = @transform_8, window_bounds = array<i64: 1, 128>}, {transform_indices = @transform_9, window_bounds = array<i64: 2528, 1>}, {pipeline_mode = #tpu.pipeline_mode<synchronous>, transform_indices = @transform_10, window_bounds = array<i64: 128, 1>}, {pipeline_mode = #tpu.pipeline_mode<synchronous>, transform_indices = @transform_11, window_bounds = array<i64: 64, 128>}]} {
    %eq3A = arith.constant 0 : i32
    %eq3A_0 = arith.cmpi eq, %arg0, %eq3A : i32
    %convert_element_type3A = arith.extui %eq3A_0 : i1 to i32
    %cond3A = arith.constant 0 : i32
    %cond3A_1 = arith.cmpi ne, %convert_element_type3A, %cond3A : i32
    scf.if %cond3A_1 {
      %broadcast_in_dim3A_68 = arith.constant 0.000000e+00 : f32
      %broadcast_in_dim3A_69 = vector.broadcast %broadcast_in_dim3A_68 : f32 to vector<64x128xf32>
      %swap3A_70 = arith.constant 0 : index
      %swap3A_71 = arith.constant 0 : index
      %swap3A_72 = vector.load %arg13[%swap3A_70, %swap3A_71] : memref<64x128xf32, #tpu.memory_space<vmem>>, vector<64x128xf32>
      tpu.vector_store %arg13[%swap3A_70, %swap3A_71], %broadcast_in_dim3A_69 {strides = array<i32>} : memref<64x128xf32, #tpu.memory_space<vmem>>, vector<64x128xf32>,
      %broadcast_in_dim3A_73 = arith.constant 0.000000e+00 : f32
      %broadcast_in_dim3A_74 = vector.broadcast %broadcast_in_dim3A_73 : f32 to vector<64x128xf32>
      %swap3A_75 = arith.constant 0 : index
      %swap3A_76 = arith.constant 0 : index
      %swap3A_77 = vector.load %arg14[%swap3A_75, %swap3A_76] : memref<64x128xf32, #tpu.memory_space<vmem>>, vector<64x128xf32>
      tpu.vector_store %arg14[%swap3A_75, %swap3A_76], %broadcast_in_dim3A_74 {strides = array<i32>} : memref<64x128xf32, #tpu.memory_space<vmem>>, vector<64x128xf32>,
    } else {
    }
    %get3A = arith.constant 0 : index
    %get3A_2 = memref.load %arg1[%get3A] : memref<1xf32, #tpu.memory_space<smem>>
    %add3A = arith.constant 1.000000e+00 : f32
    %add3A_3 = arith.addf %add3A, %get3A_2 : f32
    %get3A_4 = arith.constant 0 : index
    %get3A_5 = arith.constant 0 : index
    %get3A_6 = vector.load %arg3[%get3A_4, %get3A_5] : memref<2528x128xf32, #tpu.memory_space<vmem>>, vector<2528x128xf32>
    %mul3A = vector.broadcast %add3A_3 : f32 to vector<2528x128xf32>
    %mul3A_7 = arith.mulf %mul3A, %get3A_6 : vector<2528x128xf32>
    %get3A_8 = arith.constant 0 : index
    %get3A_9 = arith.constant 0 : index
    %get3A_10 = vector.load %arg4[%get3A_8, %get3A_9] : memref<2528x128xf32, #tpu.memory_space<vmem>>, vector<2528x128xf32>
    %add3A_11 = arith.addf %mul3A_7, %get3A_10 : vector<2528x128xf32>
    %get3A_12 = arith.constant 0 : index
    %get3A_13 = arith.constant 0 : index
    %get3A_14 = vector.load %arg5[%get3A_12, %get3A_13] : memref<2528x128xf32, #tpu.memory_space<vmem>>, vector<2528x128xf32>
    %add3A_15 = arith.addf %add3A_11, %get3A_14 : vector<2528x128xf32>
    %get3A_16 = arith.constant 0 : index
    %get3A_17 = arith.constant 0 : index
    %get3A_18 = vector.load %arg6[%get3A_16, %get3A_17] : memref<128x128xf32, #tpu.memory_space<vmem>>, vector<128x128xf32>
    %dot_general3A = arith.constant dense<0.000000e+00> : vector<2528x128xf32>
    %dot_general3A_19 = tpu.matmul %add3A_15, %get3A_18, %dot_general3A {dimension_numbers = #tpu.dot_dimension_numbers<[1], [0], [0], [1], [0, 0, 1, 1], [], []>, transpose_lhs_hint = false} : vector<2528x128xf32>, vector<128x128xf32>, vector<2528x128xf32> -> vector<2528x128xf32>
    %get3A_20 = arith.constant 0 : index
    %get3A_21 = arith.constant 0 : index
    %get3A_22 = vector.load %arg7[%get3A_20, %get3A_21] : memref<1x128xf32, #tpu.memory_space<vmem>>, vector<1x128xf32>
    %add3A_23 = vector.broadcast %get3A_22 : vector<1x128xf32> to vector<2528x128xf32>
    %add3A_24 = arith.addf %dot_general3A_19, %add3A_23 : vector<2528x128xf32>
    %max3A = arith.constant 0.000000e+00 : f32
    %max3A_25 = vector.broadcast %max3A : f32 to vector<2528x128xf32>
    %max3A_26 = arith.maximumf %add3A_24, %max3A_25 : vector<2528x128xf32>
    %get3A_27 = arith.constant 0 : index
    %get3A_28 = arith.constant 0 : index
    %get3A_29 = vector.load %arg8[%get3A_27, %get3A_28] : memref<128x128xf32, #tpu.memory_space<vmem>>, vector<128x128xf32>
    %dot_general3A_30 = arith.constant dense<0.000000e+00> : vector<2528x128xf32>
    %dot_general3A_31 = tpu.matmul %max3A_26, %get3A_29, %dot_general3A_30 {dimension_numbers = #tpu.dot_dimension_numbers<[1], [0], [0], [1], [0, 0, 1, 1], [], []>, transpose_lhs_hint = false} : vector<2528x128xf32>, vector<128x128xf32>, vector<2528x128xf32> -> vector<2528x128xf32>
    %get3A_32 = arith.constant 0 : index
    %get3A_33 = arith.constant 0 : index
    %get3A_34 = vector.load %arg9[%get3A_32, %get3A_33] : memref<1x128xf32, #tpu.memory_space<vmem>>, vector<1x128xf32>
    %add3A_35 = vector.broadcast %get3A_34 : vector<1x128xf32> to vector<2528x128xf32>
    %add3A_36 = arith.addf %dot_general3A_31, %add3A_35 : vector<2528x128xf32>
    %get3A_37 = arith.constant 0 : index
    %get3A_38 = arith.constant 0 : index
    %get3A_39 = vector.load %arg10[%get3A_37, %get3A_38] : memref<2528x1xi32, #tpu.memory_space<vmem>>, vector<2528x1xi32>
    %iota3A = tpu.iota {dimensions = array<i32: 1>} : vector<2528x64xi32>
    %broadcast_in_dim3A = vector.shape_cast %get3A_39 : vector<2528x1xi32> to vector<2528x1xi32>
    %broadcast_in_dim3A_40 = vector.broadcast %broadcast_in_dim3A : vector<2528x1xi32> to vector<2528x64xi32>
    %eq3A_41 = arith.cmpi eq, %broadcast_in_dim3A_40, %iota3A : vector<2528x64xi32>
    %convert_element_type3A_42 = arith.extui %eq3A_41 : vector<2528x64xi1> to vector<2528x64xi32>
    %convert_element_type3A_43 = arith.sitofp %convert_element_type3A_42 : vector<2528x64xi32> to vector<2528x64xf32>
    %get3A_44 = arith.constant 0 : index
    %get3A_45 = arith.constant 0 : index
    %get3A_46 = vector.load %arg13[%get3A_44, %get3A_45] : memref<64x128xf32, #tpu.memory_space<vmem>>, vector<64x128xf32>
    %dot_general3A_47 = arith.constant dense<0.000000e+00> : vector<64x128xf32>
    %dot_general3A_48 = tpu.matmul %convert_element_type3A_43, %add3A_36, %dot_general3A_47 {dimension_numbers = #tpu.dot_dimension_numbers<[0], [0], [1], [1], [0, 1, 1, 1], [], []>, transpose_lhs_hint = false} : vector<2528x64xf32>, vector<2528x128xf32>, vector<64x128xf32> -> vector<64x128xf32>
    %add3A_49 = arith.addf %get3A_46, %dot_general3A_48 : vector<64x128xf32>
    %swap3A = arith.constant 0 : index
    %swap3A_50 = arith.constant 0 : index
    %swap3A_51 = vector.load %arg13[%swap3A, %swap3A_50] : memref<64x128xf32, #tpu.memory_space<vmem>>, vector<64x128xf32>
    tpu.vector_store %arg13[%swap3A, %swap3A_50], %add3A_49 {strides = array<i32>} : memref<64x128xf32, #tpu.memory_space<vmem>>, vector<64x128xf32>,
    %get3A_52 = arith.constant 0 : index
    %get3A_53 = arith.constant 0 : index
    %get3A_54 = vector.load %arg14[%get3A_52, %get3A_53] : memref<64x128xf32, #tpu.memory_space<vmem>>, vector<64x128xf32>
    %broadcast_in_dim3A_55 = arith.constant 1.000000e+00 : f32
    %broadcast_in_dim3A_56 = vector.broadcast %broadcast_in_dim3A_55 : f32 to vector<2528x128xf32>
    %dot_general3A_57 = arith.constant dense<0.000000e+00> : vector<64x128xf32>
    %dot_general3A_58 = tpu.matmul %convert_element_type3A_43, %broadcast_in_dim3A_56, %dot_general3A_57 {dimension_numbers = #tpu.dot_dimension_numbers<[0], [0], [1], [1], [0, 1, 1, 1], [], []>, transpose_lhs_hint = false} : vector<2528x64xf32>, vector<2528x128xf32>, vector<64x128xf32> -> vector<64x128xf32>
    %add3A_59 = arith.addf %get3A_54, %dot_general3A_58 : vector<64x128xf32>
    %swap3A_60 = arith.constant 0 : index
    %swap3A_61 = arith.constant 0 : index
    %swap3A_62 = vector.load %arg14[%swap3A_60, %swap3A_61] : memref<64x128xf32, #tpu.memory_space<vmem>>, vector<64x128xf32>
    tpu.vector_store %arg14[%swap3A_60, %swap3A_61], %add3A_59 {strides = array<i32>} : memref<64x128xf32, #tpu.memory_space<vmem>>, vector<64x128xf32>,
    %eq3A_63 = arith.constant 3 : i32
    %eq3A_64 = arith.cmpi eq, %arg0, %eq3A_63 : i32
    %convert_element_type3A_65 = arith.extui %eq3A_64 : i1 to i32
    %cond3A_66 = arith.constant 0 : i32
    %cond3A_67 = arith.cmpi ne, %convert_element_type3A_65, %cond3A_66 : i32
    scf.if %cond3A_67 {
      %get3A_68 = arith.constant 0 : index
      %get3A_69 = arith.constant 0 : index
      %get3A_70 = vector.load %arg13[%get3A_68, %get3A_69] : memref<64x128xf32, #tpu.memory_space<vmem>>, vector<64x128xf32>
      %get3A_71 = arith.constant 0 : index
      %get3A_72 = arith.constant 0 : index
      %get3A_73 = vector.load %arg14[%get3A_71, %get3A_72] : memref<64x128xf32, #tpu.memory_space<vmem>>, vector<64x128xf32>
      %max3A_74 = arith.constant 1.000000e+00 : f32
      %max3A_75 = vector.broadcast %max3A_74 : f32 to vector<64x128xf32>
      %max3A_76 = arith.maximumf %get3A_73, %max3A_75 : vector<64x128xf32>
      %div3A = arith.divf %get3A_70, %max3A_76 : vector<64x128xf32>
      %get3A_77 = arith.constant 0 : index
      %get3A_78 = arith.constant 0 : index
      %get3A_79 = vector.load %arg11[%get3A_77, %get3A_78] : memref<128x1xf32, #tpu.memory_space<vmem>>, vector<128x1xf32>
      %dot_general3A_80 = arith.constant dense<0.000000e+00> : vector<64x1xf32>
      %dot_general3A_81 = tpu.matmul %div3A, %get3A_79, %dot_general3A_80 {dimension_numbers = #tpu.dot_dimension_numbers<[1], [0], [0], [1], [0, 0, 1, 1], [], []>, transpose_lhs_hint = false} : vector<64x128xf32>, vector<128x1xf32>, vector<64x1xf32> -> vector<64x1xf32>
      %broadcast_in_dim3A_82 = vector.shape_cast %dot_general3A_81 : vector<64x1xf32> to vector<64x1xf32>
      %broadcast_in_dim3A_83 = vector.broadcast %broadcast_in_dim3A_82 : vector<64x1xf32> to vector<64x128xf32>
      %get3A_84 = arith.constant 0 : index
      %get3A_85 = memref.load %arg2[%get3A_84] : memref<1xf32, #tpu.memory_space<smem>>
      %add3A_86 = vector.broadcast %get3A_85 : f32 to vector<64x128xf32>
      %add3A_87 = arith.addf %broadcast_in_dim3A_83, %add3A_86 : vector<64x128xf32>
      %swap3A_88 = arith.constant 0 : index
      %swap3A_89 = arith.constant 0 : index
      %swap3A_90 = vector.load %arg12[%swap3A_88, %swap3A_89] : memref<64x128xf32, #tpu.memory_space<vmem>>, vector<64x128xf32>
      tpu.vector_store %arg12[%swap3A_88, %swap3A_89], %add3A_87 {strides = array<i32>} : memref<64x128xf32, #tpu.memory_space<vmem>>, vector<64x128xf32>,
    } else {
    }
    return
  }
  func.func @transform_0(%arg0: i32) -> i32 {
    %c0_i32 = arith.constant 0 : i32
    %c0_i32_0 = arith.constant 0 : i32
    return %c0_i32 : i32
  }
  func.func @transform_1(%arg0: i32) -> i32 {
    %c0_i32 = arith.constant 0 : i32
    %c0_i32_0 = arith.constant 0 : i32
    return %c0_i32 : i32
  }
  func.func @transform_2(%arg0: i32) -> (i32, i32) {
    %c0_i32 = arith.constant 0 : i32
    %c0_i32_0 = arith.constant 0 : i32
    return %arg0, %c0_i32 : i32, i32
  }
  func.func @transform_3(%arg0: i32) -> (i32, i32) {
    %c0_i32 = arith.constant 0 : i32
    %c0_i32_0 = arith.constant 0 : i32
    return %arg0, %c0_i32 : i32, i32
  }
  func.func @transform_4(%arg0: i32) -> (i32, i32) {
    %c0_i32 = arith.constant 0 : i32
    %c0_i32_0 = arith.constant 0 : i32
    return %arg0, %c0_i32 : i32, i32
  }
  func.func @transform_5(%arg0: i32) -> (i32, i32) {
    %c0_i32 = arith.constant 0 : i32
    %c0_i32_0 = arith.constant 0 : i32
    %c0_i32_1 = arith.constant 0 : i32
    return %c0_i32, %c0_i32_0 : i32, i32
  }
  func.func @transform_6(%arg0: i32) -> (i32, i32) {
    %c0_i32 = arith.constant 0 : i32
    %c0_i32_0 = arith.constant 0 : i32
    %c0_i32_1 = arith.constant 0 : i32
    return %c0_i32, %c0_i32_0 : i32, i32
  }
  func.func @transform_7(%arg0: i32) -> (i32, i32) {
    %c0_i32 = arith.constant 0 : i32
    %c0_i32_0 = arith.constant 0 : i32
    %c0_i32_1 = arith.constant 0 : i32
    return %c0_i32, %c0_i32_0 : i32, i32
  }
  func.func @transform_8(%arg0: i32) -> (i32, i32) {
    %c0_i32 = arith.constant 0 : i32
    %c0_i32_0 = arith.constant 0 : i32
    %c0_i32_1 = arith.constant 0 : i32
    return %c0_i32, %c0_i32_0 : i32, i32
  }
  func.func @transform_9(%arg0: i32) -> (i32, i32) {
    %c0_i32 = arith.constant 0 : i32
    %c0_i32_0 = arith.constant 0 : i32
    return %arg0, %c0_i32 : i32, i32
  }
  func.func @transform_10(%arg0: i32) -> (i32, i32) {
    %c0_i32 = arith.constant 0 : i32
    %c0_i32_0 = arith.constant 0 : i32
    %c0_i32_1 = arith.constant 0 : i32
    return %c0_i32, %c0_i32_0 : i32, i32
  }
  func.func @transform_11(%arg0: i32) -> (i32, i32) {
    %c0_i32 = arith.constant 0 : i32
    %c0_i32_0 = arith.constant 0 : i32
    %c0_i32_1 = arith.constant 0 : i32
    return %c0_i32, %c0_i32_0 : i32, i32
  }
}

</mosaic_0001>

<sc_bundles>
// kernel: kernel.11.cloned.1.call-start
scs
__scs_entry_jumppad:
0x0: {  	(pc) =	sbr.rel $0x88, $3  }
0x1: {  	(tag) =	ssettag $0x0;
	lr =	simm.s32 $0x1  }
0x2: {  	[smem:$0x3F8D] =	sst lr;
	_ =	strace $0xD0000000  }
0x3: {  	_ = 	snop  }
0x4: {  	_ = 	snop  }
0x5: {  	_ = 	snop  }
0x6: {  	_ = 	snop  }
0x7: {  	_ = 	snop  }
__scs_overlays_trampoline_lowered:
0x8: {  	[smem:$0x3F9C] =	sst s0  }
0x9: {  	[smem:$0x3F9D] =	sst s1  }
0xa: {  	[smem:$0x3F9E] =	sst s2  }
0xb: {  	[smem:$0x3F9F] =	sst s3  }
0xc: {  	[smem:$0x3FA0] =	sst s4  }
0xd: {  	[smem:$0x3FA1] =	sst s5  }
0xe: {  	[smem:$0x3FA2] =	sst s6  }
0xf: {  	[smem:$0x3FA3] =	sst s7  }
0x10: {  	[smem:$0x3FA4] =	sst s8  }
0x11: {  	[smem:$0x3FA5] =	sst s9;
	s0 =	simm.s32 @!p0 $0x0  }
0x12: {  	s1 =	sld [smem:$0x3F8B];
	s0 =	simm.s32 @p0 $0x1  }
0x13: {  	[smem:$0x3FA6] =	sst s0;
	s0 =	simm.s32 @!p1 $0x0  }
0x14: {  	s2 =	sld [smem:$0x3F8A];
	s0 =	simm.s32 @p1 $0x1  }
0x15: {  	[smem:$0x3FA7] =	sst s0;
	s0 =	simm.s32 @!p2 $0x0  }
0x16: {  	s3 =	sld [smem:$0x3FDB];
	s0 =	simm.s32 @p2 $0x1  }
0x17: {  	s4 =	simm.s32 $0x1BF5;
	[smem:$0x3FA9] =	sst s0  }
0x18: {  	s0 =	sld [smem:$0x3F8C];
	_ =	swait.ge [sflag:s4], $0x0  }
0x19: {  	s7 =	sld [smem:$0x3F8D]  }
0x1a: {  	s8 =	sadd.s32 $0xFFFFE003, lr  }
0x1b: {  	s9 =	sadd.s32 $0xFFFFFEF7, lr;
	s5 =	simm.s32 $0xFFFFFFFF;
	p2 =	slt.u32 s8, $0xFFFFF086  }
0x1c: {  	p1 =	slt.u32 s9, $0xF7A;
	s5 =	simm.s32 @!p2 $0x0  }
0x1d: {  	s5 =	simm.s32 @p1 $0x1;
	p0 =	seq.s32 s7, s2  }
0x1e: {  	s7 =	smul.u32 @!p0 $0xF7A, s2;
	p2 =	seq.s32 @!p0 s5, $0x0  }
0x1f: {  	s9 =	smul.u32 $0xF7A, s1;
	s8 =	simm.s32 @!p0 $0x1BF5;
	p2 =	por !p2, p0  }
0x20: {  	[sflag:s8] =	ssyncset.s32 @!p0 $0xFFFFF086;
	s6 =	sadd.s32 @!p0 s3, s7;
	s7 =	simm.s32 @!p0 $0x108  }
0x21: {  	s3 =	sadd.s32 s3, s9;
	s6 =	sadd.s32 @!p0 $0x88, s6;
	s7 =	simm.s32 @p2 $0x1082  }
0x22: {  	[simem:s7], [sflag:s8] =	dma.local @!p0 [hbm:s6], $0xF7A  }
0x23: {  	s9 =	sor.u32 $0xD0000000, s2;
	s6 =	simm.s32 $0x108;
	_ =	swait.ge @!p0 [sflag:s8], $0x0  }
0x24: {  	s3 =	sadd.s32 $0x88, s3;
	s6 =	simm.s32 @!p1 $0x1082;
	[sflag:s4] =	ssyncset.s32 $0xFFFFF086  }
0x25: {  	[simem:s6], [sflag:s4] =	dma.local [hbm:s3], $0xF7A  }
0x26: {  	[smem:$0x3F8D] =	sst s1;
	(tag) =	ssettag s2;
	_ =	strace s9  }
0x27: {  	s1 =	sld [smem:$0x3F9D]  }
0x28: {  	s2 =	sld [smem:$0x3F9E]  }
0x29: {  	s4 =	sld [smem:$0x3FA0]  }
0x2a: {  	p0 =	seq.s32 s5, $0x0;
	s5 =	sld [smem:$0x3FA1]  }
0x2b: {  	s6 =	sld [smem:$0x3FA2]  }
0x2c: {  	s7 =	sld [smem:$0x3FA3]  }
0x2d: {  	s3 =	simm.s32 $0x108;
	s8 =	sld [smem:$0x3FA4]  }
0x2e: {  	s3 =	simm.s32 @!p0 $0x1082;
	s9 =	sld [smem:$0x3FA5]  }
0x2f: {  	lr =	sadd.s32 s0, s3;
	s0 =	sld [smem:$0x3F9C]  }
0x30: {  	s3 =	sld [smem:$0x3F9F]  }
0x31: {  	[smem:$0x3FA8] =	sst s10  }
0x32: {  	s10 =	sld [smem:$0x3FA6];
	_ =	sdelay $0x3  }
0x33: {  	p0 =	seq.s32 s10, $0x1;
	s10 =	sld [smem:$0x3FA8];
	_ =	sdelay $0x3  }
0x34: {  	[smem:$0x3FA8] =	sst s10  }
0x35: {  	s10 =	sld [smem:$0x3FA7];
	_ =	sdelay $0x3  }
0x36: {  	p1 =	seq.s32 s10, $0x1;
	s10 =	sld [smem:$0x3FA8];
	_ =	sdelay $0x3  }
0x37: {  	[smem:$0x3FA8] =	sst s10  }
0x38: {  	s10 =	sld [smem:$0x3FA9]  }
0x39: {  	_ = 	snop;
	(pc) =	sbr.ind lr, $3  }
0x3a: {  	_ = 	snop  }
0x3b: {  	_ = 	snop  }
0x3c: {  	p2 =	seq.s32 s10, $0x1;
	s10 =	sld [smem:$0x3FA8]  }
0x3d: {  	_ =	shalt  }
0x3e: {  	_ =	shalt  }
0x3f: {  	_ =	shalt  }
0x40: {  	_ =	shalt  }
0x41: {  	_ =	shalt  }
0x42: {  	_ =	shalt  }
0x43: {  	_ =	shalt  }
0x44: {  	_ =	shalt  }
0x45: {  	_ =	shalt  }
0x46: {  	_ =	shalt  }
0x47: {  	_ =	shalt  }
0x48: {  	_ =	shalt  }
0x49: {  	_ =	shalt  }
0x4a: {  	_ =	shalt  }
0x4b: {  	_ =	shalt  }
0x4c: {  	_ =	shalt  }
0x4d: {  	_ =	shalt  }
0x4e: {  	_ =	shalt  }
0x4f: {  	_ =	shalt  }
0x50: {  	_ =	shalt  }
0x51: {  	_ =	shalt  }
0x52: {  	_ =	shalt  }
0x53: {  	_ =	shalt  }
0x54: {  	_ =	shalt  }
0x55: {  	_ =	shalt  }
0x56: {  	_ =	shalt  }
0x57: {  	_ =	shalt  }
0x58: {  	_ =	shalt  }
0x59: {  	_ =	shalt  }
0x5a: {  	_ =	shalt  }
0x5b: {  	_ =	shalt  }
0x5c: {  	_ =	shalt  }
0x5d: {  	_ =	shalt  }
0x5e: {  	_ =	shalt  }
0x5f: {  	_ =	shalt  }
0x60: {  	_ =	shalt  }
0x61: {  	_ =	shalt  }
0x62: {  	_ =	shalt  }
0x63: {  	_ =	shalt  }
0x64: {  	_ =	shalt  }
0x65: {  	_ =	shalt  }
0x66: {  	_ =	shalt  }
0x67: {  	_ =	shalt  }
0x68: {  	_ =	shalt  }
0x69: {  	_ =	shalt  }
0x6a: {  	_ =	shalt  }
0x6b: {  	_ =	shalt  }
0x6c: {  	_ =	shalt  }
0x6d: {  	_ =	shalt  }
0x6e: {  	_ =	shalt  }
0x6f: {  	_ =	shalt  }
0x70: {  	_ =	shalt  }
0x71: {  	_ =	shalt  }
0x72: {  	_ =	shalt  }
0x73: {  	_ =	shalt  }
0x74: {  	_ =	shalt  }
0x75: {  	_ =	shalt  }
0x76: {  	_ =	shalt  }
0x77: {  	_ =	shalt  }
0x78: {  	_ =	shalt  }
0x79: {  	_ =	shalt  }
0x7a: {  	_ =	shalt  }
0x7b: {  	_ =	shalt  }
0x7c: {  	_ =	shalt  }
0x7d: {  	_ =	shalt  }
0x7e: {  	_ =	shalt  }
0x7f: {  	_ =	shalt  }
0x80: {  	_ =	shalt  }
0x81: {  	_ =	shalt  }
0x82: {  	_ =	shalt  }
0x83: {  	_ =	shalt  }
0x84: {  	_ =	shalt  }
0x85: {  	_ =	shalt  }
0x86: {  	_ =	shalt  }
0x87: {  	_ =	shalt  }
.Lfunc_end0:
.L_simem_size_0:
called_computation.1_lowered:
.L_overlay_start_0:
0x88: {  	s2 =	sld [smem:$0x3FD9]  }
0x89: {  	s3 =	sld [smem:$0x3FFE];
	_ =	sdelay $0x1  }
0x8a: {  	s1 =	srdreg.scid  }
0x8b: {  	s0 =	sand.u32 $0x1, s1  }
0x8c: {  	s16 =	sshll.u32 s0, $0xA;
	s2 =	sadd.s32 s3, s2  }
0x8d: {  	s2 =	sadd.s32 s2, s16  }
0x8e: {  	[smem:$0x3FB4] =	sst s2  }
0x8f: {  	_ = 	snop  }
0x90: {  	(tm) =	ssettm $0x1  }
0x91: {  	s17 =	sld [smem:$0x3FFB];
	_ =	sdelay $0x3  }
0x92: {  	_ =	strace s17  }
0x93: {  	s2 =	sld [smem:$0x3FFC];
	_ =	sdelay $0x3  }
0x94: {  	_ =	strace s2  }
0x95: {  	s2 =	sld [smem:$0x3FFD];
	_ =	sdelay $0x3  }
0x96: {  	_ =	strace s2  }
0x97: {  	_ =	strace $0x8FFFFFFF  }
0x98: {  	s18 =	sld [smem:$0x3FDB];
	_ =	sdelay $0x1  }
0x99: {  	s19 =	simm.s32 $_scs_section_size  }
0x9a: {  	s4 =	simm.s32 $_size__tile_overlayer_lowered;
	s5 =	simm.s32 $_tile_overlayer_lowered  }
0x9b: {  	s22 =	simm.s32 $0x1BFF;
	s21 =	sshll.u32 s5, $0x1;
	s2 =	sadd.s32 s19, s18  }
0x9c: {  	s6 =	simm.s32 $0x0;
	s20 =	sshll.u32 s4, $0x1;
	s4 =	sadd.s32 s21, s2  }
0x9d: {  	[timem:s6], [sflag:s22] =	dma.local [hbm:s4], s20  }
0x9e: {  	_ =	swait.ge [sflag:s22], s20  }
0x9f: {  	s3 =	ssub.s32 $0x0, s20;
	[sflag:s22] =	ssyncset.done $0x0  }
0xa0: {  	[sflag:s22] =	ssyncadd.s32 s3;
	_ =	sdelay $0x1  }
0xa1: {  	s23 =	simm.s32 $0x1B8B  }
0xa2: {  	_ =	swait.ge [sflag:s23], $0x1  }
0xa3: {  	[sflag:s23] =	ssyncset.done $0x0  }
0xa4: {  	s25 =	simm.s32 $0x1B8E;
	s24 =	sld [smem:$0x3FFE];
	[sflag:s23] =	ssyncadd.s32 $0xFFFFFFFF  }
0xa5: {  	s26 =	simm.s32 $execute0_lowered;
	[smem:$0x3FD2] =	sst s25  }
0xa6: {  	s4 =	sshll.u32 s26, $0x1;
	_ =	strace $0x80000049;
	[dreg:$0x1] =	wrdreg $0xFFFFFFFF  }
0xa7: {  	s28 =	simm.s32 $_size_execute0_lowered;
	s2 =	sadd.s32 s2, s4;
	[dreg:$0x0] =	wrdreg $0x0  }
0xa8: {  	s4 =	sshll.u32 s28, $0x1;
	[dreg:$0x2] =	wrdreg s2  }
0xa9: {  	[dreg:$0x3] =	wrdreg s4  }
0xaa: {  	[dreg:$0x4] =	wrdreg $0xC0  }
0xab: {  	_ =	task [dreg:s6], $0x5FFFF  }
0xac: {  	[dreg:$0x1] =	wrdreg $0xFFFFFFFF  }
0xad: {  	[dreg:$0x0] =	wrdreg $0x60  }
0xae: {  	[dreg:$0x2] =	wrdreg s24  }
0xaf: {  	[dreg:$0x3] =	wrdreg $0x90000  }
0xb0: {  	[dreg:$0x4] =	wrdreg $0x9  }
0xb1: {  	_ =	task.clear_ibuf [dreg:s6], $0x5FFFF;
	_ =	strace $0x90000049  }
0xb2: {  	s29 =	simm.s32 $0x9;
	_ =	strace $0x8000004B  }
0xb3: {  	_ =	swait.ge [sflag:s29], $0x1  }
0xb4: {  	[sflag:s29] =	ssyncadd.s32 $0xFFFFFFFF  }
0xb5: {  	_ =	strace $0x9000004B  }
0xb6: {  	_ =	sfence  }
0xb7: {  	s30 =	sld [smem:$0x0];
	_ =	sdelay $0x2  }
0xb8: {  	s31 =	sshll.u32 s1, $0xD;
	s1 =	sshrl.u32 s1, $0x2  }
0xb9: {  	s3 =	sand.u32 $0x4000, s31;
	s1 =	sadd.s32 s1, s30  }
0xba: {  	s0 =	sor.u32 s3, s0;
	s1 =	sshll.u32 s1, $0x11  }
0xbb: {  	s0 =	sor.u32 s1, s0  }
0xbc: {  	s0 =	sadd.s32 $0x8F2B, s0  }
0xbd: {  	[sflag:s0] =	ssyncadd.remote.s32 $0x1  }
0xbe: {  	_ =	sfence.sel $0xFFFF  }
0xbf: {  	[dreg:$0x0] =	wrdreg $0xFFFFFFFF;
	(pc) =	sbr.abs _section_cstart, $3  }
0xc0: {  	[dreg:$0x1] =	wrdreg $0xFFFFFFFF  }
0xc1: {  	_ =	task.clear_ibuf [dreg:s6], $0x2FFFF;
	_ =	strace $0x9FFFFFFF  }
0xc2: {  	(tm) =	ssettm $0x7FFFFFFF  }
0xc3: {  	_ =	shalt  }
tec
execute0_lowered:
.L_overlay_start_1:
0x0: {  	(tag) =	ssettag $0x1  }
0x1: {  	s6 =	rddreg [dreg:$0x0]  }
0x2: {  	s0 =	srdreg.scid;
	s2 =	rddreg [dreg:$0x1]  }
0x3: {  	s3 =	simm.s32 $0x0;
	s14 =	simm.s32 $0x80;
	s15 =	simm.s32 $0x5000  }
0x4: {  	s16 =	simm.s32 $0x1;
	s5 =	sand.u32 $0x1, s0;
	s0 =	stileid.u32  }
0x5: {  	s17 =	simm.s32 $0x0;
	[smem:$0x7FF] =	sst s3;
	s8 =	smul.u32 $0x13C000, s5  }
0x6: {  	s4 =	sadd.s32 $0x18400, s6;
	s1 =	sshll.u32 s5, $0x4;
	s9 =	smul.u32 $0x13C00, s0  }
0x7: {  	s30 =	ssub.s32 $0x2, s5;
	s11 =	smul.u32 $0x4F000, s0;
	s5 =	sadd.s32 $0x3FC00, s6  }
0x8: {  	s12 =	sshll.u32 s0, $0x6;
	s1 =	sor.u32 s0, s1;
	s10 =	sshrl.u32 s30, $0x1  }
0x9: {  	s12 =	sor.u32 $0x1C02, s12;
	s7 =	smul.u32 $0x500, s1;
	s1 =	rddreg [dreg:$0x2]  }
0xa: {  	_ =	strace $0x8000004A;
	s8 =	sadd.s32 s9, s8;
	s9 =	ssub.s32 s30, s10  }
0xb: {  	s31 =	sshrl.u32 s11, $0x2;
	s10 =	simm.s32 $0x2;
	s11 =	simm.s32 $0x2800  }
0xc: {  	s8 =	sshrl.u32 s8, $0x3;
	s13 =	sadd.s32 s31, s2;
	s9 =	smax.u32 s9, $0x1  }
0xd: {  	s7 =	sadd.s32 s7, s6;
	s8 =	sadd.s32 s8, s6;
	s13 =	sshrl.u32 s13, $0x3  }
0xe: {  	s6 =	sadd.s32 $0x4400, s7;
	s7 =	sadd.s32 $0xE400, s7;
	s8 =	sadd.s32 $0x42400, s8  }
.LBB2_1:
0xf: {  	[tilespmem:s3], [sflag:$0x2] =	stream.linear.gather [hbm4b:s6+s3], $0x2780, $0x38;
	[tilespmem:$0x1CC00] =	vst v63  }
0x10: {  	_ =	swait.ge [sflag:s10], $0x2780  }
0x11: {  	[sflag:s10] =	ssyncset.done $0x0  }
0x12: {  	[sflag:s10] =	ssyncadd.s32 $0xFFFFD880  }
0x13: {  	[tilespmem:s11], [sflag:$0x2] =	stream.linear.gather [hbm4b:s7+s3], $0x2780, $0x38;
	[tilespmem:$0x1CC00] =	vst v63  }
0x14: {  	_ =	swait.ge [sflag:s10], $0x2780  }
0x15: {  	[sflag:s10] =	ssyncset.done $0x0  }
0x16: {  	[sflag:s10] =	ssyncadd.s32 $0xFFFFD880  }
0x17: {  	[spmem:s13], [sflag:s12] =	dma.local [hbm:s5], $0x2780  }
0x18: {  	_ =	swait.ge [sflag:s10], $0x2780  }
0x19: {  	[sflag:s10] =	ssyncset.done $0x0  }
0x1a: {  	[sflag:s10] =	ssyncadd.s32 $0xFFFFD880  }
0x1b: {  	s18 =	simm.s32 $0x0;
	[bflag:$0x0] =	sbarrier.arrive $0xFFFF  }
0x1c: {  	[tilespmem:s15], [sflag:$0x1] =	stream.indirect.gather [hbm4b:s4+s14], $0x80, s18, s14, $0xb8;
	[tilespmem:$0x1CC00] =	vst v63  }
0x1d: {  	_ =	swait.ge [sflag:s16], $0x4000  }
0x1e: {  	[sflag:s16] =	ssyncset.done $0x0  }
0x1f: {  	s31 =	simm.s32 $0x2800;
	[sflag:s16] =	ssyncadd.s32 $0xFFFFC000  }
0x20: {  	[spmem:s2] =	stream.indirect.scatter.add.f32 [tilespmem:s15], [sflag:$0x2], $0x80, s31, s14, $0xb8;
	[tilespmem:$0x1CC00] =	vst v63  }
0x21: {  	_ =	swait.ge [sflag:s10], $0x4000  }
0x22: {  	s19 =	simm.s32 $0x400;
	s18 =	simm.s32 $0x200;
	[sflag:s10] =	ssyncset.done $0x0  }
.LBB2_2:
0x23: {  	s20 =	sshra.s32 s18, $0x2  }
0x24: {  	[sflag:s10] =	ssyncadd.s32 $0xFFFFC000;
	s18 =	smov.u32 s19;
	s21 =	sadd.s32 $0x200, s19  }
0x25: {  	[tilespmem:s15], [sflag:$0x1] =	stream.indirect.gather [hbm4b:s4+s14], $0x80, s20, s14, $0xb8;
	[tilespmem:$0x1CC00] =	vst v63  }
0x26: {  	p0 =	sne.s32 s19, $0x9C00;
	_ =	swait.ge [sflag:s16], $0x4000  }
.Ltmp0:
0x27: {  	[sflag:s16] =	ssyncset.done $0x0;
	(pc) =	sbr.rel @p0 .LBB2_2-.Ltmp0, $4  }
0x28: {  	s19 =	sadd.s32 $0x2800, s20;
	[sflag:s16] =	ssyncadd.s32 $0xFFFFC000  }
0x29: {  	[spmem:s2] =	stream.indirect.scatter.add.f32 [tilespmem:s15], [sflag:$0x2], $0x80, s19, s14, $0xb8;
	[tilespmem:$0x1CC00] =	vst v63  }
0x2a: {  	_ =	swait.ge [sflag:s10], $0x4000  }
0x2b: {  	s19 =	smov.u32 s21;
	[sflag:s10] =	ssyncset.done $0x0  }
0x2c: {  	s18 =	sshra.s32 s18, $0x2;
	[sflag:s10] =	ssyncadd.s32 $0xFFFFC000  }
0x2d: {  	[tilespmem:s15], [sflag:$0x1] =	stream.indirect.gather [hbm4b:s4+s14], $0x80, s18, s14, $0xb8;
	[tilespmem:$0x1CC00] =	vst v63  }
0x2e: {  	_ =	swait.ge [sflag:s16], $0x4000  }
0x2f: {  	[sflag:s16] =	ssyncset.done $0x0  }
0x30: {  	s18 =	sadd.s32 $0x2800, s18;
	[sflag:s16] =	ssyncadd.s32 $0xFFFFC000  }
0x31: {  	[spmem:s2] =	stream.indirect.scatter.add.f32 [tilespmem:s15], [sflag:$0x2], $0x80, s18, s14, $0xb8;
	[tilespmem:$0x1CC00] =	vst v63  }
0x32: {  	_ =	swait.ge [sflag:s10], $0x4000  }
0x33: {  	s17 =	sadd.s32 $0x1, s17;
	[sflag:s10] =	ssyncset.done $0x0  }
0x34: {  	p0 =	sne.s32 s17, s9;
	[sflag:s10] =	ssyncadd.s32 $0xFFFFC000  }
.Ltmp1:
0x35: {  	[bflag:$0x0] =	sbarrier.arrive $0xFFFF;
	(pc) =	sbr.rel @p0 .LBB2_1-.Ltmp1, $4  }
0x36: {  	[hbm:s8], [sflag:s12] =	dma.local [spmem:s13], $0x2780  }
0x37: {  	_ =	swait.ge [sflag:s10], $0x2780  }
0x38: {  	[sflag:s10] =	ssyncset.done $0x0  }
0x39: {  	[sflag:s10] =	ssyncadd.s32 $0xFFFFD880  }
0x3a: {  	_ =	sfence.sel $0x180000  }
0x3b: {  	[bflag:$0x0] =	sbarrier.arrive $0xFFFF  }
0x3c: {  	p0 =	sne.s32 s0, $0x0;
	_ =	strace $0x9000004A  }
0x3d: {  	s0 =	sadd.s32 @!p0 $0x100000, s1;
	[bflag:$0x2] =	sbarrier.arrive $0xFFFF  }
0x3e: {  	[sflag:s0] =	ssyncadd.tile.s32 @!p0 $0x1;
	_ =	shalt  }
.Lfunc_end2:
_tile_overlayer_lowered:
.L_overlay_start_2:
0x3f: {  	(tag) =	ssettag $0x2  }
0x40: {  	s0 =	rddreg [dreg:$0x0];
	s2 =	stileid.u32  }
0x41: {  	s1 =	rddreg [dreg:$0x1];
	p0 =	sne.s32 s2, $0x0  }
0x42: {  	s3 =	rddreg [dreg:$0x2];
	[bflag:$0x3] =	sbarrier.arrive $0xFFFF;
	s2 =	simm.s32 @!p0 $0x1C02  }
0x43: {  	[timem:s3], [sflag:s2] =	dma.local @!p0 [hbm:s0], s1  }
0x44: {  	s0 =	simm.s32 @!p0 $0x2  }
0x45: {  	_ =	swait.ge @!p0 [sflag:s0], s1  }
0x46: {  	s1 =	ssub.s32 @!p0 $0x0, s1;
	[sflag:s0] =	ssyncset.done @!p0 $0x0  }
0x47: {  	[sflag:s0] =	ssyncadd.s32 @!p0 s1  }
0x48: {  	[bflag:$0x3] =	sbarrier.arrive $0xFFFF  }
0x49: {  	_ =	shalt  }

// kernel: kernel.14.cloned.1.call-start
scs
__scs_entry_jumppad:
0x0: {  	(pc) =	sbr.rel $0x88, $3  }
0x1: {  	(tag) =	ssettag $0x0;
	lr =	simm.s32 $0x1  }
0x2: {  	[smem:$0x3F8D] =	sst lr;
	_ =	strace $0xD0000000  }
0x3: {  	_ = 	snop  }
0x4: {  	_ = 	snop  }
0x5: {  	_ = 	snop  }
0x6: {  	_ = 	snop  }
0x7: {  	_ = 	snop  }
__scs_overlays_trampoline_lowered:
0x8: {  	[smem:$0x3F9C] =	sst s0  }
0x9: {  	[smem:$0x3F9D] =	sst s1  }
0xa: {  	[smem:$0x3F9E] =	sst s2  }
0xb: {  	[smem:$0x3F9F] =	sst s3  }
0xc: {  	[smem:$0x3FA0] =	sst s4  }
0xd: {  	[smem:$0x3FA1] =	sst s5  }
0xe: {  	[smem:$0x3FA2] =	sst s6  }
0xf: {  	[smem:$0x3FA3] =	sst s7  }
0x10: {  	[smem:$0x3FA4] =	sst s8  }
0x11: {  	[smem:$0x3FA5] =	sst s9;
	s0 =	simm.s32 @!p0 $0x0  }
0x12: {  	s1 =	sld [smem:$0x3F8B];
	s0 =	simm.s32 @p0 $0x1  }
0x13: {  	[smem:$0x3FA6] =	sst s0;
	s0 =	simm.s32 @!p1 $0x0  }
0x14: {  	s2 =	sld [smem:$0x3F8A];
	s0 =	simm.s32 @p1 $0x1  }
0x15: {  	[smem:$0x3FA7] =	sst s0;
	s0 =	simm.s32 @!p2 $0x0  }
0x16: {  	s3 =	sld [smem:$0x3FDB];
	s0 =	simm.s32 @p2 $0x1  }
0x17: {  	s4 =	simm.s32 $0x1BF5;
	[smem:$0x3FA9] =	sst s0  }
0x18: {  	s0 =	sld [smem:$0x3F8C];
	_ =	swait.ge [sflag:s4], $0x0  }
0x19: {  	s7 =	sld [smem:$0x3F8D]  }
0x1a: {  	s8 =	sadd.s32 $0xFFFFE003, lr  }
0x1b: {  	s9 =	sadd.s32 $0xFFFFFEF7, lr;
	s5 =	simm.s32 $0xFFFFFFFF;
	p2 =	slt.u32 s8, $0xFFFFF086  }
0x1c: {  	p1 =	slt.u32 s9, $0xF7A;
	s5 =	simm.s32 @!p2 $0x0  }
0x1d: {  	s5 =	simm.s32 @p1 $0x1;
	p0 =	seq.s32 s7, s2  }
0x1e: {  	s7 =	smul.u32 @!p0 $0xF7A, s2;
	p2 =	seq.s32 @!p0 s5, $0x0  }
0x1f: {  	s9 =	smul.u32 $0xF7A, s1;
	s8 =	simm.s32 @!p0 $0x1BF5;
	p2 =	por !p2, p0  }
0x20: {  	[sflag:s8] =	ssyncset.s32 @!p0 $0xFFFFF086;
	s6 =	sadd.s32 @!p0 s3, s7;
	s7 =	simm.s32 @!p0 $0x108  }
0x21: {  	s3 =	sadd.s32 s3, s9;
	s6 =	sadd.s32 @!p0 $0x88, s6;
	s7 =	simm.s32 @p2 $0x1082  }
0x22: {  	[simem:s7], [sflag:s8] =	dma.local @!p0 [hbm:s6], $0xF7A  }
0x23: {  	s9 =	sor.u32 $0xD0000000, s2;
	s6 =	simm.s32 $0x108;
	_ =	swait.ge @!p0 [sflag:s8], $0x0  }
0x24: {  	s3 =	sadd.s32 $0x88, s3;
	s6 =	simm.s32 @!p1 $0x1082;
	[sflag:s4] =	ssyncset.s32 $0xFFFFF086  }
0x25: {  	[simem:s6], [sflag:s4] =	dma.local [hbm:s3], $0xF7A  }
0x26: {  	[smem:$0x3F8D] =	sst s1;
	(tag) =	ssettag s2;
	_ =	strace s9  }
0x27: {  	s1 =	sld [smem:$0x3F9D]  }
0x28: {  	s2 =	sld [smem:$0x3F9E]  }
0x29: {  	s4 =	sld [smem:$0x3FA0]  }
0x2a: {  	p0 =	seq.s32 s5, $0x0;
	s5 =	sld [smem:$0x3FA1]  }
0x2b: {  	s6 =	sld [smem:$0x3FA2]  }
0x2c: {  	s7 =	sld [smem:$0x3FA3]  }
0x2d: {  	s3 =	simm.s32 $0x108;
	s8 =	sld [smem:$0x3FA4]  }
0x2e: {  	s3 =	simm.s32 @!p0 $0x1082;
	s9 =	sld [smem:$0x3FA5]  }
0x2f: {  	lr =	sadd.s32 s0, s3;
	s0 =	sld [smem:$0x3F9C]  }
0x30: {  	s3 =	sld [smem:$0x3F9F]  }
0x31: {  	[smem:$0x3FA8] =	sst s10  }
0x32: {  	s10 =	sld [smem:$0x3FA6];
	_ =	sdelay $0x3  }
0x33: {  	p0 =	seq.s32 s10, $0x1;
	s10 =	sld [smem:$0x3FA8];
	_ =	sdelay $0x3  }
0x34: {  	[smem:$0x3FA8] =	sst s10  }
0x35: {  	s10 =	sld [smem:$0x3FA7];
	_ =	sdelay $0x3  }
0x36: {  	p1 =	seq.s32 s10, $0x1;
	s10 =	sld [smem:$0x3FA8];
	_ =	sdelay $0x3  }
0x37: {  	[smem:$0x3FA8] =	sst s10  }
0x38: {  	s10 =	sld [smem:$0x3FA9]  }
0x39: {  	_ = 	snop;
	(pc) =	sbr.ind lr, $3  }
0x3a: {  	_ = 	snop  }
0x3b: {  	_ = 	snop  }
0x3c: {  	p2 =	seq.s32 s10, $0x1;
	s10 =	sld [smem:$0x3FA8]  }
0x3d: {  	_ =	shalt  }
0x3e: {  	_ =	shalt  }
0x3f: {  	_ =	shalt  }
0x40: {  	_ =	shalt  }
0x41: {  	_ =	shalt  }
0x42: {  	_ =	shalt  }
0x43: {  	_ =	shalt  }
0x44: {  	_ =	shalt  }
0x45: {  	_ =	shalt  }
0x46: {  	_ =	shalt  }
0x47: {  	_ =	shalt  }
0x48: {  	_ =	shalt  }
0x49: {  	_ =	shalt  }
0x4a: {  	_ =	shalt  }
0x4b: {  	_ =	shalt  }
0x4c: {  	_ =	shalt  }
0x4d: {  	_ =	shalt  }
0x4e: {  	_ =	shalt  }
0x4f: {  	_ =	shalt  }
0x50: {  	_ =	shalt  }
0x51: {  	_ =	shalt  }
0x52: {  	_ =	shalt  }
0x53: {  	_ =	shalt  }
0x54: {  	_ =	shalt  }
0x55: {  	_ =	shalt  }
0x56: {  	_ =	shalt  }
0x57: {  	_ =	shalt  }
0x58: {  	_ =	shalt  }
0x59: {  	_ =	shalt  }
0x5a: {  	_ =	shalt  }
0x5b: {  	_ =	shalt  }
0x5c: {  	_ =	shalt  }
0x5d: {  	_ =	shalt  }
0x5e: {  	_ =	shalt  }
0x5f: {  	_ =	shalt  }
0x60: {  	_ =	shalt  }
0x61: {  	_ =	shalt  }
0x62: {  	_ =	shalt  }
0x63: {  	_ =	shalt  }
0x64: {  	_ =	shalt  }
0x65: {  	_ =	shalt  }
0x66: {  	_ =	shalt  }
0x67: {  	_ =	shalt  }
0x68: {  	_ =	shalt  }
0x69: {  	_ =	shalt  }
0x6a: {  	_ =	shalt  }
0x6b: {  	_ =	shalt  }
0x6c: {  	_ =	shalt  }
0x6d: {  	_ =	shalt  }
0x6e: {  	_ =	shalt  }
0x6f: {  	_ =	shalt  }
0x70: {  	_ =	shalt  }
0x71: {  	_ =	shalt  }
0x72: {  	_ =	shalt  }
0x73: {  	_ =	shalt  }
0x74: {  	_ =	shalt  }
0x75: {  	_ =	shalt  }
0x76: {  	_ =	shalt  }
0x77: {  	_ =	shalt  }
0x78: {  	_ =	shalt  }
0x79: {  	_ =	shalt  }
0x7a: {  	_ =	shalt  }
0x7b: {  	_ =	shalt  }
0x7c: {  	_ =	shalt  }
0x7d: {  	_ =	shalt  }
0x7e: {  	_ =	shalt  }
0x7f: {  	_ =	shalt  }
0x80: {  	_ =	shalt  }
0x81: {  	_ =	shalt  }
0x82: {  	_ =	shalt  }
0x83: {  	_ =	shalt  }
0x84: {  	_ =	shalt  }
0x85: {  	_ =	shalt  }
0x86: {  	_ =	shalt  }
0x87: {  	_ =	shalt  }
.Lfunc_end0:
.L_simem_size_0:
called_computation.2_lowered:
.L_overlay_start_0:
0x88: {  	s2 =	sld [smem:$0x3FD9]  }
0x89: {  	s3 =	sld [smem:$0x3FFE];
	_ =	sdelay $0x1  }
0x8a: {  	s1 =	srdreg.scid  }
0x8b: {  	s0 =	sand.u32 $0x1, s1  }
0x8c: {  	s16 =	sshll.u32 s0, $0xA;
	s2 =	sadd.s32 s3, s2  }
0x8d: {  	s2 =	sadd.s32 s2, s16  }
0x8e: {  	[smem:$0x3FB4] =	sst s2  }
0x8f: {  	_ = 	snop  }
0x90: {  	(tm) =	ssettm $0x1  }
0x91: {  	s17 =	sld [smem:$0x3FFB];
	_ =	sdelay $0x3  }
0x92: {  	_ =	strace s17  }
0x93: {  	s2 =	sld [smem:$0x3FFC];
	_ =	sdelay $0x3  }
0x94: {  	_ =	strace s2  }
0x95: {  	s2 =	sld [smem:$0x3FFD];
	_ =	sdelay $0x3  }
0x96: {  	_ =	strace s2  }
0x97: {  	_ =	strace $0x8FFFFFFF  }
0x98: {  	s18 =	sld [smem:$0x3FDB];
	_ =	sdelay $0x1  }
0x99: {  	s19 =	simm.s32 $_scs_section_size  }
0x9a: {  	s4 =	simm.s32 $_size__tile_overlayer_lowered;
	s5 =	simm.s32 $_tile_overlayer_lowered  }
0x9b: {  	s22 =	simm.s32 $0x1BFF;
	s21 =	sshll.u32 s5, $0x1;
	s2 =	sadd.s32 s19, s18  }
0x9c: {  	s6 =	simm.s32 $0x0;
	s20 =	sshll.u32 s4, $0x1;
	s4 =	sadd.s32 s21, s2  }
0x9d: {  	[timem:s6], [sflag:s22] =	dma.local [hbm:s4], s20  }
0x9e: {  	_ =	swait.ge [sflag:s22], s20  }
0x9f: {  	s3 =	ssub.s32 $0x0, s20;
	[sflag:s22] =	ssyncset.done $0x0  }
0xa0: {  	[sflag:s22] =	ssyncadd.s32 s3;
	_ =	sdelay $0x1  }
0xa1: {  	s23 =	simm.s32 $0x1B8B  }
0xa2: {  	_ =	swait.ge [sflag:s23], $0x1  }
0xa3: {  	[sflag:s23] =	ssyncset.done $0x0  }
0xa4: {  	s25 =	simm.s32 $0x1B8E;
	s24 =	sld [smem:$0x3FFE];
	[sflag:s23] =	ssyncadd.s32 $0xFFFFFFFF  }
0xa5: {  	s26 =	simm.s32 $execute0_lowered;
	[smem:$0x3FD2] =	sst s25  }
0xa6: {  	s4 =	sshll.u32 s26, $0x1;
	_ =	strace $0x8000004C;
	[dreg:$0x1] =	wrdreg $0xFFFFFFFF  }
0xa7: {  	s28 =	simm.s32 $_size_execute0_lowered;
	s2 =	sadd.s32 s2, s4;
	[dreg:$0x0] =	wrdreg $0x0  }
0xa8: {  	s4 =	sshll.u32 s28, $0x1;
	[dreg:$0x2] =	wrdreg s2  }
0xa9: {  	[dreg:$0x3] =	wrdreg s4  }
0xaa: {  	[dreg:$0x4] =	wrdreg $0xC0  }
0xab: {  	_ =	task [dreg:s6], $0x5FFFF  }
0xac: {  	[dreg:$0x1] =	wrdreg $0xFFFFFFFF  }
0xad: {  	[dreg:$0x0] =	wrdreg $0x60  }
0xae: {  	[dreg:$0x2] =	wrdreg s24  }
0xaf: {  	[dreg:$0x3] =	wrdreg $0x90000  }
0xb0: {  	[dreg:$0x4] =	wrdreg $0x9  }
0xb1: {  	_ =	task.clear_ibuf [dreg:s6], $0x5FFFF;
	_ =	strace $0x9000004C  }
0xb2: {  	s29 =	simm.s32 $0x9;
	_ =	strace $0x8000004E  }
0xb3: {  	_ =	swait.ge [sflag:s29], $0x1  }
0xb4: {  	[sflag:s29] =	ssyncadd.s32 $0xFFFFFFFF  }
0xb5: {  	_ =	strace $0x9000004E  }
0xb6: {  	_ =	sfence  }
0xb7: {  	s30 =	sld [smem:$0x0];
	_ =	sdelay $0x2  }
0xb8: {  	s31 =	sshll.u32 s1, $0xD;
	s1 =	sshrl.u32 s1, $0x2  }
0xb9: {  	s3 =	sand.u32 $0x4000, s31;
	s1 =	sadd.s32 s1, s30  }
0xba: {  	s0 =	sor.u32 s3, s0;
	s1 =	sshll.u32 s1, $0x11  }
0xbb: {  	s0 =	sor.u32 s1, s0  }
0xbc: {  	s0 =	sadd.s32 $0x8F2B, s0  }
0xbd: {  	[sflag:s0] =	ssyncadd.remote.s32 $0x1  }
0xbe: {  	_ =	sfence.sel $0xFFFF  }
0xbf: {  	[dreg:$0x0] =	wrdreg $0xFFFFFFFF;
	(pc) =	sbr.abs _section_cstart, $3  }
0xc0: {  	[dreg:$0x1] =	wrdreg $0xFFFFFFFF  }
0xc1: {  	_ =	task.clear_ibuf [dreg:s6], $0x2FFFF;
	_ =	strace $0x9FFFFFFF  }
0xc2: {  	(tm) =	ssettm $0x7FFFFFFF  }
0xc3: {  	_ =	shalt  }
tec
execute0_lowered:
.L_overlay_start_1:
0x0: {  	(tag) =	ssettag $0x1  }
0x1: {  	s6 =	rddreg [dreg:$0x0]  }
0x2: {  	s0 =	srdreg.scid;
	s2 =	rddreg [dreg:$0x1]  }
0x3: {  	s3 =	simm.s32 $0x0;
	s14 =	simm.s32 $0x80;
	s15 =	simm.s32 $0x5000  }
0x4: {  	s16 =	simm.s32 $0x1;
	s5 =	sand.u32 $0x1, s0;
	s0 =	stileid.u32  }
0x5: {  	s17 =	simm.s32 $0x0;
	[smem:$0x7FF] =	sst s3;
	s8 =	smul.u32 $0x13C000, s5  }
0x6: {  	s4 =	sadd.s32 $0x18400, s6;
	s1 =	sshll.u32 s5, $0x4;
	s9 =	smul.u32 $0x13C00, s0  }
0x7: {  	s30 =	ssub.s32 $0x2, s5;
	s11 =	smul.u32 $0x4F000, s0;
	s5 =	sadd.s32 $0x3FC00, s6  }
0x8: {  	s12 =	sshll.u32 s0, $0x6;
	s1 =	sor.u32 s0, s1;
	s10 =	sshrl.u32 s30, $0x1  }
0x9: {  	s12 =	sor.u32 $0x1C02, s12;
	s7 =	smul.u32 $0x500, s1;
	s1 =	rddreg [dreg:$0x2]  }
0xa: {  	_ =	strace $0x8000004D;
	s8 =	sadd.s32 s9, s8;
	s9 =	ssub.s32 s30, s10  }
0xb: {  	s31 =	sshrl.u32 s11, $0x2;
	s10 =	simm.s32 $0x2;
	s11 =	simm.s32 $0x2800  }
0xc: {  	s8 =	sshrl.u32 s8, $0x3;
	s13 =	sadd.s32 s31, s2;
	s9 =	smax.u32 s9, $0x1  }
0xd: {  	s7 =	sadd.s32 s7, s6;
	s8 =	sadd.s32 s8, s6;
	s13 =	sshrl.u32 s13, $0x3  }
0xe: {  	s6 =	sadd.s32 $0x4400, s7;
	s7 =	sadd.s32 $0xE400, s7;
	s8 =	sadd.s32 $0x42400, s8  }
.LBB2_1:
0xf: {  	[tilespmem:s3], [sflag:$0x2] =	stream.linear.gather [hbm4b:s6+s3], $0x2780, $0x38;
	[tilespmem:$0x1CC00] =	vst v63  }
0x10: {  	_ =	swait.ge [sflag:s10], $0x2780  }
0x11: {  	[sflag:s10] =	ssyncset.done $0x0  }
0x12: {  	[sflag:s10] =	ssyncadd.s32 $0xFFFFD880  }
0x13: {  	[tilespmem:s11], [sflag:$0x2] =	stream.linear.gather [hbm4b:s7+s3], $0x2780, $0x38;
	[tilespmem:$0x1CC00] =	vst v63  }
0x14: {  	_ =	swait.ge [sflag:s10], $0x2780  }
0x15: {  	[sflag:s10] =	ssyncset.done $0x0  }
0x16: {  	[sflag:s10] =	ssyncadd.s32 $0xFFFFD880  }
0x17: {  	[spmem:s13], [sflag:s12] =	dma.local [hbm:s5], $0x2780  }
0x18: {  	_ =	swait.ge [sflag:s10], $0x2780  }
0x19: {  	[sflag:s10] =	ssyncset.done $0x0  }
0x1a: {  	[sflag:s10] =	ssyncadd.s32 $0xFFFFD880  }
0x1b: {  	s18 =	simm.s32 $0x0;
	[bflag:$0x0] =	sbarrier.arrive $0xFFFF  }
0x1c: {  	[tilespmem:s15], [sflag:$0x1] =	stream.indirect.gather [hbm4b:s4+s14], $0x80, s18, s14, $0xb8;
	[tilespmem:$0x1CC00] =	vst v63  }
0x1d: {  	_ =	swait.ge [sflag:s16], $0x4000  }
0x1e: {  	[sflag:s16] =	ssyncset.done $0x0  }
0x1f: {  	s31 =	simm.s32 $0x2800;
	[sflag:s16] =	ssyncadd.s32 $0xFFFFC000  }
0x20: {  	[spmem:s2] =	stream.indirect.scatter.add.f32 [tilespmem:s15], [sflag:$0x2], $0x80, s31, s14, $0xb8;
	[tilespmem:$0x1CC00] =	vst v63  }
0x21: {  	_ =	swait.ge [sflag:s10], $0x4000  }
0x22: {  	s19 =	simm.s32 $0x400;
	s18 =	simm.s32 $0x200;
	[sflag:s10] =	ssyncset.done $0x0  }
.LBB2_2:
0x23: {  	s20 =	sshra.s32 s18, $0x2  }
0x24: {  	[sflag:s10] =	ssyncadd.s32 $0xFFFFC000;
	s18 =	smov.u32 s19;
	s21 =	sadd.s32 $0x200, s19  }
0x25: {  	[tilespmem:s15], [sflag:$0x1] =	stream.indirect.gather [hbm4b:s4+s14], $0x80, s20, s14, $0xb8;
	[tilespmem:$0x1CC00] =	vst v63  }
0x26: {  	p0 =	sne.s32 s19, $0x9C00;
	_ =	swait.ge [sflag:s16], $0x4000  }
.Ltmp0:
0x27: {  	[sflag:s16] =	ssyncset.done $0x0;
	(pc) =	sbr.rel @p0 .LBB2_2-.Ltmp0, $4  }
0x28: {  	s19 =	sadd.s32 $0x2800, s20;
	[sflag:s16] =	ssyncadd.s32 $0xFFFFC000  }
0x29: {  	[spmem:s2] =	stream.indirect.scatter.add.f32 [tilespmem:s15], [sflag:$0x2], $0x80, s19, s14, $0xb8;
	[tilespmem:$0x1CC00] =	vst v63  }
0x2a: {  	_ =	swait.ge [sflag:s10], $0x4000  }
0x2b: {  	s19 =	smov.u32 s21;
	[sflag:s10] =	ssyncset.done $0x0  }
0x2c: {  	s18 =	sshra.s32 s18, $0x2;
	[sflag:s10] =	ssyncadd.s32 $0xFFFFC000  }
0x2d: {  	[tilespmem:s15], [sflag:$0x1] =	stream.indirect.gather [hbm4b:s4+s14], $0x80, s18, s14, $0xb8;
	[tilespmem:$0x1CC00] =	vst v63  }
0x2e: {  	_ =	swait.ge [sflag:s16], $0x4000  }
0x2f: {  	[sflag:s16] =	ssyncset.done $0x0  }
0x30: {  	s18 =	sadd.s32 $0x2800, s18;
	[sflag:s16] =	ssyncadd.s32 $0xFFFFC000  }
0x31: {  	[spmem:s2] =	stream.indirect.scatter.add.f32 [tilespmem:s15], [sflag:$0x2], $0x80, s18, s14, $0xb8;
	[tilespmem:$0x1CC00] =	vst v63  }
0x32: {  	_ =	swait.ge [sflag:s10], $0x4000  }
0x33: {  	s17 =	sadd.s32 $0x1, s17;
	[sflag:s10] =	ssyncset.done $0x0  }
0x34: {  	p0 =	sne.s32 s17, s9;
	[sflag:s10] =	ssyncadd.s32 $0xFFFFC000  }
.Ltmp1:
0x35: {  	[bflag:$0x0] =	sbarrier.arrive $0xFFFF;
	(pc) =	sbr.rel @p0 .LBB2_1-.Ltmp1, $4  }
0x36: {  	[hbm:s8], [sflag:s12] =	dma.local [spmem:s13], $0x2780  }
0x37: {  	_ =	swait.ge [sflag:s10], $0x2780  }
0x38: {  	[sflag:s10] =	ssyncset.done $0x0  }
0x39: {  	[sflag:s10] =	ssyncadd.s32 $0xFFFFD880  }
0x3a: {  	_ =	sfence.sel $0x180000  }
0x3b: {  	[bflag:$0x0] =	sbarrier.arrive $0xFFFF  }
0x3c: {  	p0 =	sne.s32 s0, $0x0;
	_ =	strace $0x9000004D  }
0x3d: {  	s0 =	sadd.s32 @!p0 $0x100000, s1;
	[bflag:$0x2] =	sbarrier.arrive $0xFFFF  }
0x3e: {  	[sflag:s0] =	ssyncadd.tile.s32 @!p0 $0x1;
	_ =	shalt  }
.Lfunc_end2:
_tile_overlayer_lowered:
.L_overlay_start_2:
0x3f: {  	(tag) =	ssettag $0x2  }
0x40: {  	s0 =	rddreg [dreg:$0x0];
	s2 =	stileid.u32  }
0x41: {  	s1 =	rddreg [dreg:$0x1];
	p0 =	sne.s32 s2, $0x0  }
0x42: {  	s3 =	rddreg [dreg:$0x2];
	[bflag:$0x3] =	sbarrier.arrive $0xFFFF;
	s2 =	simm.s32 @!p0 $0x1C02  }
0x43: {  	[timem:s3], [sflag:s2] =	dma.local @!p0 [hbm:s0], s1  }
0x44: {  	s0 =	simm.s32 @!p0 $0x2  }
0x45: {  	_ =	swait.ge @!p0 [sflag:s0], s1  }
0x46: {  	s1 =	ssub.s32 @!p0 $0x0, s1;
	[sflag:s0] =	ssyncset.done @!p0 $0x0  }
0x47: {  	[sflag:s0] =	ssyncadd.s32 @!p0 s1  }
0x48: {  	[bflag:$0x3] =	sbarrier.arrive $0xFFFF  }
0x49: {  	_ =	shalt  }

// kernel: kernel.8.cloned.1.call-start
scs
__scs_entry_jumppad:
0x0: {  	(pc) =	sbr.rel $0x88, $3  }
0x1: {  	(tag) =	ssettag $0x0;
	lr =	simm.s32 $0x1  }
0x2: {  	[smem:$0x3F8D] =	sst lr;
	_ =	strace $0xD0000000  }
0x3: {  	_ = 	snop  }
0x4: {  	_ = 	snop  }
0x5: {  	_ = 	snop  }
0x6: {  	_ = 	snop  }
0x7: {  	_ = 	snop  }
__scs_overlays_trampoline_lowered:
0x8: {  	[smem:$0x3F9C] =	sst s0  }
0x9: {  	[smem:$0x3F9D] =	sst s1  }
0xa: {  	[smem:$0x3F9E] =	sst s2  }
0xb: {  	[smem:$0x3F9F] =	sst s3  }
0xc: {  	[smem:$0x3FA0] =	sst s4  }
0xd: {  	[smem:$0x3FA1] =	sst s5  }
0xe: {  	[smem:$0x3FA2] =	sst s6  }
0xf: {  	[smem:$0x3FA3] =	sst s7  }
0x10: {  	[smem:$0x3FA4] =	sst s8  }
0x11: {  	[smem:$0x3FA5] =	sst s9;
	s0 =	simm.s32 @!p0 $0x0  }
0x12: {  	s1 =	sld [smem:$0x3F8B];
	s0 =	simm.s32 @p0 $0x1  }
0x13: {  	[smem:$0x3FA6] =	sst s0;
	s0 =	simm.s32 @!p1 $0x0  }
0x14: {  	s2 =	sld [smem:$0x3F8A];
	s0 =	simm.s32 @p1 $0x1  }
0x15: {  	[smem:$0x3FA7] =	sst s0;
	s0 =	simm.s32 @!p2 $0x0  }
0x16: {  	s3 =	sld [smem:$0x3FDB];
	s0 =	simm.s32 @p2 $0x1  }
0x17: {  	s4 =	simm.s32 $0x1BF5;
	[smem:$0x3FA9] =	sst s0  }
0x18: {  	s0 =	sld [smem:$0x3F8C];
	_ =	swait.ge [sflag:s4], $0x0  }
0x19: {  	s7 =	sld [smem:$0x3F8D]  }
0x1a: {  	s8 =	sadd.s32 $0xFFFFE003, lr  }
0x1b: {  	s9 =	sadd.s32 $0xFFFFFEF7, lr;
	s5 =	simm.s32 $0xFFFFFFFF;
	p2 =	slt.u32 s8, $0xFFFFF086  }
0x1c: {  	p1 =	slt.u32 s9, $0xF7A;
	s5 =	simm.s32 @!p2 $0x0  }
0x1d: {  	s5 =	simm.s32 @p1 $0x1;
	p0 =	seq.s32 s7, s2  }
0x1e: {  	s7 =	smul.u32 @!p0 $0xF7A, s2;
	p2 =	seq.s32 @!p0 s5, $0x0  }
0x1f: {  	s9 =	smul.u32 $0xF7A, s1;
	s8 =	simm.s32 @!p0 $0x1BF5;
	p2 =	por !p2, p0  }
0x20: {  	[sflag:s8] =	ssyncset.s32 @!p0 $0xFFFFF086;
	s6 =	sadd.s32 @!p0 s3, s7;
	s7 =	simm.s32 @!p0 $0x108  }
0x21: {  	s3 =	sadd.s32 s3, s9;
	s6 =	sadd.s32 @!p0 $0x88, s6;
	s7 =	simm.s32 @p2 $0x1082  }
0x22: {  	[simem:s7], [sflag:s8] =	dma.local @!p0 [hbm:s6], $0xF7A  }
0x23: {  	s9 =	sor.u32 $0xD0000000, s2;
	s6 =	simm.s32 $0x108;
	_ =	swait.ge @!p0 [sflag:s8], $0x0  }
0x24: {  	s3 =	sadd.s32 $0x88, s3;
	s6 =	simm.s32 @!p1 $0x1082;
	[sflag:s4] =	ssyncset.s32 $0xFFFFF086  }
0x25: {  	[simem:s6], [sflag:s4] =	dma.local [hbm:s3], $0xF7A  }
0x26: {  	[smem:$0x3F8D] =	sst s1;
	(tag) =	ssettag s2;
	_ =	strace s9  }
0x27: {  	s1 =	sld [smem:$0x3F9D]  }
0x28: {  	s2 =	sld [smem:$0x3F9E]  }
0x29: {  	s4 =	sld [smem:$0x3FA0]  }
0x2a: {  	p0 =	seq.s32 s5, $0x0;
	s5 =	sld [smem:$0x3FA1]  }
0x2b: {  	s6 =	sld [smem:$0x3FA2]  }
0x2c: {  	s7 =	sld [smem:$0x3FA3]  }
0x2d: {  	s3 =	simm.s32 $0x108;
	s8 =	sld [smem:$0x3FA4]  }
0x2e: {  	s3 =	simm.s32 @!p0 $0x1082;
	s9 =	sld [smem:$0x3FA5]  }
0x2f: {  	lr =	sadd.s32 s0, s3;
	s0 =	sld [smem:$0x3F9C]  }
0x30: {  	s3 =	sld [smem:$0x3F9F]  }
0x31: {  	[smem:$0x3FA8] =	sst s10  }
0x32: {  	s10 =	sld [smem:$0x3FA6];
	_ =	sdelay $0x3  }
0x33: {  	p0 =	seq.s32 s10, $0x1;
	s10 =	sld [smem:$0x3FA8];
	_ =	sdelay $0x3  }
0x34: {  	[smem:$0x3FA8] =	sst s10  }
0x35: {  	s10 =	sld [smem:$0x3FA7];
	_ =	sdelay $0x3  }
0x36: {  	p1 =	seq.s32 s10, $0x1;
	s10 =	sld [smem:$0x3FA8];
	_ =	sdelay $0x3  }
0x37: {  	[smem:$0x3FA8] =	sst s10  }
0x38: {  	s10 =	sld [smem:$0x3FA9]  }
0x39: {  	_ = 	snop;
	(pc) =	sbr.ind lr, $3  }
0x3a: {  	_ = 	snop  }
0x3b: {  	_ = 	snop  }
0x3c: {  	p2 =	seq.s32 s10, $0x1;
	s10 =	sld [smem:$0x3FA8]  }
0x3d: {  	_ =	shalt  }
0x3e: {  	_ =	shalt  }
0x3f: {  	_ =	shalt  }
0x40: {  	_ =	shalt  }
0x41: {  	_ =	shalt  }
0x42: {  	_ =	shalt  }
0x43: {  	_ =	shalt  }
0x44: {  	_ =	shalt  }
0x45: {  	_ =	shalt  }
0x46: {  	_ =	shalt  }
0x47: {  	_ =	shalt  }
0x48: {  	_ =	shalt  }
0x49: {  	_ =	shalt  }
0x4a: {  	_ =	shalt  }
0x4b: {  	_ =	shalt  }
0x4c: {  	_ =	shalt  }
0x4d: {  	_ =	shalt  }
0x4e: {  	_ =	shalt  }
0x4f: {  	_ =	shalt  }
0x50: {  	_ =	shalt  }
0x51: {  	_ =	shalt  }
0x52: {  	_ =	shalt  }
0x53: {  	_ =	shalt  }
0x54: {  	_ =	shalt  }
0x55: {  	_ =	shalt  }
0x56: {  	_ =	shalt  }
0x57: {  	_ =	shalt  }
0x58: {  	_ =	shalt  }
0x59: {  	_ =	shalt  }
0x5a: {  	_ =	shalt  }
0x5b: {  	_ =	shalt  }
0x5c: {  	_ =	shalt  }
0x5d: {  	_ =	shalt  }
0x5e: {  	_ =	shalt  }
0x5f: {  	_ =	shalt  }
0x60: {  	_ =	shalt  }
0x61: {  	_ =	shalt  }
0x62: {  	_ =	shalt  }
0x63: {  	_ =	shalt  }
0x64: {  	_ =	shalt  }
0x65: {  	_ =	shalt  }
0x66: {  	_ =	shalt  }
0x67: {  	_ =	shalt  }
0x68: {  	_ =	shalt  }
0x69: {  	_ =	shalt  }
0x6a: {  	_ =	shalt  }
0x6b: {  	_ =	shalt  }
0x6c: {  	_ =	shalt  }
0x6d: {  	_ =	shalt  }
0x6e: {  	_ =	shalt  }
0x6f: {  	_ =	shalt  }
0x70: {  	_ =	shalt  }
0x71: {  	_ =	shalt  }
0x72: {  	_ =	shalt  }
0x73: {  	_ =	shalt  }
0x74: {  	_ =	shalt  }
0x75: {  	_ =	shalt  }
0x76: {  	_ =	shalt  }
0x77: {  	_ =	shalt  }
0x78: {  	_ =	shalt  }
0x79: {  	_ =	shalt  }
0x7a: {  	_ =	shalt  }
0x7b: {  	_ =	shalt  }
0x7c: {  	_ =	shalt  }
0x7d: {  	_ =	shalt  }
0x7e: {  	_ =	shalt  }
0x7f: {  	_ =	shalt  }
0x80: {  	_ =	shalt  }
0x81: {  	_ =	shalt  }
0x82: {  	_ =	shalt  }
0x83: {  	_ =	shalt  }
0x84: {  	_ =	shalt  }
0x85: {  	_ =	shalt  }
0x86: {  	_ =	shalt  }
0x87: {  	_ =	shalt  }
.Lfunc_end0:
.L_simem_size_0:
called_computation_lowered:
.L_overlay_start_0:
0x88: {  	s2 =	sld [smem:$0x3FD9]  }
0x89: {  	s3 =	sld [smem:$0x3FFE];
	_ =	sdelay $0x1  }
0x8a: {  	s1 =	srdreg.scid  }
0x8b: {  	s0 =	sand.u32 $0x1, s1  }
0x8c: {  	s16 =	sshll.u32 s0, $0xA;
	s2 =	sadd.s32 s3, s2  }
0x8d: {  	s2 =	sadd.s32 s2, s16  }
0x8e: {  	[smem:$0x3FB4] =	sst s2  }
0x8f: {  	_ = 	snop  }
0x90: {  	(tm) =	ssettm $0x1  }
0x91: {  	s17 =	sld [smem:$0x3FFB];
	_ =	sdelay $0x3  }
0x92: {  	_ =	strace s17  }
0x93: {  	s2 =	sld [smem:$0x3FFC];
	_ =	sdelay $0x3  }
0x94: {  	_ =	strace s2  }
0x95: {  	s2 =	sld [smem:$0x3FFD];
	_ =	sdelay $0x3  }
0x96: {  	_ =	strace s2  }
0x97: {  	_ =	strace $0x8FFFFFFF  }
0x98: {  	s18 =	sld [smem:$0x3FDB];
	_ =	sdelay $0x1  }
0x99: {  	s19 =	simm.s32 $_scs_section_size  }
0x9a: {  	s4 =	simm.s32 $_size__tile_overlayer_lowered;
	s5 =	simm.s32 $_tile_overlayer_lowered  }
0x9b: {  	s22 =	simm.s32 $0x1BFF;
	s21 =	sshll.u32 s5, $0x1;
	s2 =	sadd.s32 s19, s18  }
0x9c: {  	s6 =	simm.s32 $0x0;
	s20 =	sshll.u32 s4, $0x1;
	s4 =	sadd.s32 s21, s2  }
0x9d: {  	[timem:s6], [sflag:s22] =	dma.local [hbm:s4], s20  }
0x9e: {  	_ =	swait.ge [sflag:s22], s20  }
0x9f: {  	s3 =	ssub.s32 $0x0, s20;
	[sflag:s22] =	ssyncset.done $0x0  }
0xa0: {  	[sflag:s22] =	ssyncadd.s32 s3;
	_ =	sdelay $0x1  }
0xa1: {  	s23 =	simm.s32 $0x1B8B  }
0xa2: {  	_ =	swait.ge [sflag:s23], $0x1  }
0xa3: {  	[sflag:s23] =	ssyncset.done $0x0  }
0xa4: {  	s25 =	simm.s32 $0x1B8E;
	s24 =	sld [smem:$0x3FFE];
	[sflag:s23] =	ssyncadd.s32 $0xFFFFFFFF  }
0xa5: {  	s26 =	simm.s32 $execute0_lowered;
	[smem:$0x3FD2] =	sst s25  }
0xa6: {  	s4 =	sshll.u32 s26, $0x1;
	_ =	strace $0x80000046;
	[dreg:$0x1] =	wrdreg $0xFFFFFFFF  }
0xa7: {  	s28 =	simm.s32 $_size_execute0_lowered;
	s2 =	sadd.s32 s2, s4;
	[dreg:$0x0] =	wrdreg $0x0  }
0xa8: {  	s4 =	sshll.u32 s28, $0x1;
	[dreg:$0x2] =	wrdreg s2  }
0xa9: {  	[dreg:$0x3] =	wrdreg s4  }
0xaa: {  	[dreg:$0x4] =	wrdreg $0xC0  }
0xab: {  	_ =	task [dreg:s6], $0x5FFFF  }
0xac: {  	[dreg:$0x1] =	wrdreg $0xFFFFFFFF  }
0xad: {  	[dreg:$0x0] =	wrdreg $0x60  }
0xae: {  	[dreg:$0x2] =	wrdreg s24  }
0xaf: {  	[dreg:$0x3] =	wrdreg $0x90000  }
0xb0: {  	[dreg:$0x4] =	wrdreg $0x9  }
0xb1: {  	_ =	task.clear_ibuf [dreg:s6], $0x5FFFF;
	_ =	strace $0x90000046  }
0xb2: {  	s29 =	simm.s32 $0x9;
	_ =	strace $0x80000048  }
0xb3: {  	_ =	swait.ge [sflag:s29], $0x1  }
0xb4: {  	[sflag:s29] =	ssyncadd.s32 $0xFFFFFFFF  }
0xb5: {  	_ =	strace $0x90000048  }
0xb6: {  	_ =	sfence  }
0xb7: {  	s30 =	sld [smem:$0x0];
	_ =	sdelay $0x2  }
0xb8: {  	s31 =	sshll.u32 s1, $0xD;
	s1 =	sshrl.u32 s1, $0x2  }
0xb9: {  	s3 =	sand.u32 $0x4000, s31;
	s1 =	sadd.s32 s1, s30  }
0xba: {  	s0 =	sor.u32 s3, s0;
	s1 =	sshll.u32 s1, $0x11  }
0xbb: {  	s0 =	sor.u32 s1, s0  }
0xbc: {  	s0 =	sadd.s32 $0x8F2B, s0  }
0xbd: {  	[sflag:s0] =	ssyncadd.remote.s32 $0x1  }
0xbe: {  	_ =	sfence.sel $0xFFFF  }
0xbf: {  	[dreg:$0x0] =	wrdreg $0xFFFFFFFF;
	(pc) =	sbr.abs _section_cstart, $3  }
0xc0: {  	[dreg:$0x1] =	wrdreg $0xFFFFFFFF  }
0xc1: {  	_ =	task.clear_ibuf [dreg:s6], $0x2FFFF;
	_ =	strace $0x9FFFFFFF  }
0xc2: {  	(tm) =	ssettm $0x7FFFFFFF  }
0xc3: {  	_ =	shalt  }
tec
execute0_lowered:
.L_overlay_start_1:
0x0: {  	(tag) =	ssettag $0x1  }
0x1: {  	s6 =	rddreg [dreg:$0x0]  }
0x2: {  	s0 =	srdreg.scid;
	s2 =	rddreg [dreg:$0x1]  }
0x3: {  	s3 =	simm.s32 $0x0;
	s14 =	simm.s32 $0x80;
	s15 =	simm.s32 $0x5000  }
0x4: {  	s16 =	simm.s32 $0x1;
	s5 =	sand.u32 $0x1, s0;
	s0 =	stileid.u32  }
0x5: {  	s17 =	simm.s32 $0x0;
	[smem:$0x7FF] =	sst s3;
	s8 =	smul.u32 $0x13C000, s5  }
0x6: {  	s4 =	sadd.s32 $0x18400, s6;
	s1 =	sshll.u32 s5, $0x4;
	s9 =	smul.u32 $0x13C00, s0  }
0x7: {  	s30 =	ssub.s32 $0x2, s5;
	s11 =	smul.u32 $0x4F000, s0;
	s5 =	sadd.s32 $0x3FC00, s6  }
0x8: {  	s12 =	sshll.u32 s0, $0x6;
	s1 =	sor.u32 s0, s1;
	s10 =	sshrl.u32 s30, $0x1  }
0x9: {  	s12 =	sor.u32 $0x1C02, s12;
	s7 =	smul.u32 $0x500, s1;
	s1 =	rddreg [dreg:$0x2]  }
0xa: {  	_ =	strace $0x80000047;
	s8 =	sadd.s32 s9, s8;
	s9 =	ssub.s32 s30, s10  }
0xb: {  	s31 =	sshrl.u32 s11, $0x2;
	s10 =	simm.s32 $0x2;
	s11 =	simm.s32 $0x2800  }
0xc: {  	s8 =	sshrl.u32 s8, $0x3;
	s13 =	sadd.s32 s31, s2;
	s9 =	smax.u32 s9, $0x1  }
0xd: {  	s7 =	sadd.s32 s7, s6;
	s8 =	sadd.s32 s8, s6;
	s13 =	sshrl.u32 s13, $0x3  }
0xe: {  	s6 =	sadd.s32 $0x4400, s7;
	s7 =	sadd.s32 $0xE400, s7;
	s8 =	sadd.s32 $0x42400, s8  }
.LBB2_1:
0xf: {  	[tilespmem:s3], [sflag:$0x2] =	stream.linear.gather [hbm4b:s6+s3], $0x2780, $0x38;
	[tilespmem:$0x1CC00] =	vst v63  }
0x10: {  	_ =	swait.ge [sflag:s10], $0x2780  }
0x11: {  	[sflag:s10] =	ssyncset.done $0x0  }
0x12: {  	[sflag:s10] =	ssyncadd.s32 $0xFFFFD880  }
0x13: {  	[tilespmem:s11], [sflag:$0x2] =	stream.linear.gather [hbm4b:s7+s3], $0x2780, $0x38;
	[tilespmem:$0x1CC00] =	vst v63  }
0x14: {  	_ =	swait.ge [sflag:s10], $0x2780  }
0x15: {  	[sflag:s10] =	ssyncset.done $0x0  }
0x16: {  	[sflag:s10] =	ssyncadd.s32 $0xFFFFD880  }
0x17: {  	[spmem:s13], [sflag:s12] =	dma.local [hbm:s5], $0x2780  }
0x18: {  	_ =	swait.ge [sflag:s10], $0x2780  }
0x19: {  	[sflag:s10] =	ssyncset.done $0x0  }
0x1a: {  	[sflag:s10] =	ssyncadd.s32 $0xFFFFD880  }
0x1b: {  	s18 =	simm.s32 $0x0;
	[bflag:$0x0] =	sbarrier.arrive $0xFFFF  }
0x1c: {  	[tilespmem:s15], [sflag:$0x1] =	stream.indirect.gather [hbm4b:s4+s14], $0x80, s18, s14, $0xb8;
	[tilespmem:$0x1CC00] =	vst v63  }
0x1d: {  	_ =	swait.ge [sflag:s16], $0x4000  }
0x1e: {  	[sflag:s16] =	ssyncset.done $0x0  }
0x1f: {  	s31 =	simm.s32 $0x2800;
	[sflag:s16] =	ssyncadd.s32 $0xFFFFC000  }
0x20: {  	[spmem:s2] =	stream.indirect.scatter.add.f32 [tilespmem:s15], [sflag:$0x2], $0x80, s31, s14, $0xb8;
	[tilespmem:$0x1CC00] =	vst v63  }
0x21: {  	_ =	swait.ge [sflag:s10], $0x4000  }
0x22: {  	s19 =	simm.s32 $0x400;
	s18 =	simm.s32 $0x200;
	[sflag:s10] =	ssyncset.done $0x0  }
.LBB2_2:
0x23: {  	s20 =	sshra.s32 s18, $0x2  }
0x24: {  	[sflag:s10] =	ssyncadd.s32 $0xFFFFC000;
	s18 =	smov.u32 s19;
	s21 =	sadd.s32 $0x200, s19  }
0x25: {  	[tilespmem:s15], [sflag:$0x1] =	stream.indirect.gather [hbm4b:s4+s14], $0x80, s20, s14, $0xb8;
	[tilespmem:$0x1CC00] =	vst v63  }
0x26: {  	p0 =	sne.s32 s19, $0x9C00;
	_ =	swait.ge [sflag:s16], $0x4000  }
.Ltmp0:
0x27: {  	[sflag:s16] =	ssyncset.done $0x0;
	(pc) =	sbr.rel @p0 .LBB2_2-.Ltmp0, $4  }
0x28: {  	s19 =	sadd.s32 $0x2800, s20;
	[sflag:s16] =	ssyncadd.s32 $0xFFFFC000  }
0x29: {  	[spmem:s2] =	stream.indirect.scatter.add.f32 [tilespmem:s15], [sflag:$0x2], $0x80, s19, s14, $0xb8;
	[tilespmem:$0x1CC00] =	vst v63  }
0x2a: {  	_ =	swait.ge [sflag:s10], $0x4000  }
0x2b: {  	s19 =	smov.u32 s21;
	[sflag:s10] =	ssyncset.done $0x0  }
0x2c: {  	s18 =	sshra.s32 s18, $0x2;
	[sflag:s10] =	ssyncadd.s32 $0xFFFFC000  }
0x2d: {  	[tilespmem:s15], [sflag:$0x1] =	stream.indirect.gather [hbm4b:s4+s14], $0x80, s18, s14, $0xb8;
	[tilespmem:$0x1CC00] =	vst v63  }
0x2e: {  	_ =	swait.ge [sflag:s16], $0x4000  }
0x2f: {  	[sflag:s16] =	ssyncset.done $0x0  }
0x30: {  	s18 =	sadd.s32 $0x2800, s18;
	[sflag:s16] =	ssyncadd.s32 $0xFFFFC000  }
0x31: {  	[spmem:s2] =	stream.indirect.scatter.add.f32 [tilespmem:s15], [sflag:$0x2], $0x80, s18, s14, $0xb8;
	[tilespmem:$0x1CC00] =	vst v63  }
0x32: {  	_ =	swait.ge [sflag:s10], $0x4000  }
0x33: {  	s17 =	sadd.s32 $0x1, s17;
	[sflag:s10] =	ssyncset.done $0x0  }
0x34: {  	p0 =	sne.s32 s17, s9;
	[sflag:s10] =	ssyncadd.s32 $0xFFFFC000  }
.Ltmp1:
0x35: {  	[bflag:$0x0] =	sbarrier.arrive $0xFFFF;
	(pc) =	sbr.rel @p0 .LBB2_1-.Ltmp1, $4  }
0x36: {  	[hbm:s8], [sflag:s12] =	dma.local [spmem:s13], $0x2780  }
0x37: {  	_ =	swait.ge [sflag:s10], $0x2780  }
0x38: {  	[sflag:s10] =	ssyncset.done $0x0  }
0x39: {  	[sflag:s10] =	ssyncadd.s32 $0xFFFFD880  }
0x3a: {  	_ =	sfence.sel $0x180000  }
0x3b: {  	[bflag:$0x0] =	sbarrier.arrive $0xFFFF  }
0x3c: {  	p0 =	sne.s32 s0, $0x0;
	_ =	strace $0x90000047  }
0x3d: {  	s0 =	sadd.s32 @!p0 $0x100000, s1;
	[bflag:$0x2] =	sbarrier.arrive $0xFFFF  }
0x3e: {  	[sflag:s0] =	ssyncadd.tile.s32 @!p0 $0x1;
	_ =	shalt  }
.Lfunc_end2:
_tile_overlayer_lowered:
.L_overlay_start_2:
0x3f: {  	(tag) =	ssettag $0x2  }
0x40: {  	s0 =	rddreg [dreg:$0x0];
	s2 =	stileid.u32  }
0x41: {  	s1 =	rddreg [dreg:$0x1];
	p0 =	sne.s32 s2, $0x0  }
0x42: {  	s3 =	rddreg [dreg:$0x2];
	[bflag:$0x3] =	sbarrier.arrive $0xFFFF;
	s2 =	simm.s32 @!p0 $0x1C02  }
0x43: {  	[timem:s3], [sflag:s2] =	dma.local @!p0 [hbm:s0], s1  }
0x44: {  	s0 =	simm.s32 @!p0 $0x2  }
0x45: {  	_ =	swait.ge @!p0 [sflag:s0], s1  }
0x46: {  	s1 =	ssub.s32 @!p0 $0x0, s1;
	[sflag:s0] =	ssyncset.done @!p0 $0x0  }
0x47: {  	[sflag:s0] =	ssyncadd.s32 @!p0 s1  }
0x48: {  	[bflag:$0x3] =	sbarrier.arrive $0xFFFF  }
0x49: {  	_ =	shalt  }

</sc_bundles>
